<compile_context>
chip_gen: v7x
topology: tpu7x:2x2x1
jax: 0.10.2.dev20260603
libtpu: 0.0.44.dev20260713+nightly
codegen_flags: <defaults>
</compile_context>

<pallas_src>
import functools

import jax
import jax.numpy as jnp
from jax import lax
from jax.experimental import pallas as pl
from jax.experimental.pallas import tpu as pltpu
from jax.experimental.pallas import tpu_sc as plsc


def _build_v_tables(rel_features, instruction, W, b):
  R, H = rel_features.shape
  Bb = instruction.shape[0]
  HALF = H // 2

  def body(rf_ref, w_ref, b_ref, instr_ref, out_ref):
    rel_t = lax.dot_general(
        rf_ref[...], w_ref[...],
        dimension_numbers=(((1,), (1,)), ((), ())),
        preferred_element_type=jnp.float32)
    rel_t = jnp.maximum(rel_t + b_ref[...], 0.0)
    out_ref[0] = instr_ref[...][:, None, :] * rel_t[None, :, :]

  return pl.pallas_call(
      body,
      grid=(2,),
      in_specs=[
          pl.BlockSpec((R, H), lambda p: (0, 0)),
          pl.BlockSpec((HALF, H), lambda p: (p, 0)),
          pl.BlockSpec((1, HALF), lambda p: (0, p)),
          pl.BlockSpec((Bb, HALF), lambda p: (0, p)),
      ],
      out_specs=pl.BlockSpec((1, Bb, R, HALF), lambda p: (p, 0, 0, 0)),
      out_shape=jax.ShapeDtypeStruct((2, Bb, R, HALF), jnp.float32),
  )(rel_features, W, b.reshape(1, H), instruction)


def _make_sc_kernel(E, N, R, HALF):
  NSUB = 16
  EPT = E // NSUB
  K = 80
  NCH = EPT // K
  RPT = N // NSUB
  assert EPT * NSUB == E and NCH * K == EPT and RPT * NSUB == N

  def body(vp_hbm, heads_hbm, cols_hbm, tails_hbm, dist_hbm,
           out_hbm,
           dist_v, cols_r, heads_r, tails_r, s_r, rows_v, acc_sh,
           sem_g, sem_h, sem_c, sem_t, sem_a):
    c = lax.axis_index("c")
    sid = lax.axis_index("s")
    base = sid * EPT

    pltpu.sync_copy(dist_hbm, dist_v)

    zeros16 = jnp.zeros((16,), jnp.float32)

    @pl.loop(0, K)
    def _(j):
      for k in range(HALF // 16):
        rows_v[0, j, pl.ds(k * 16, 16)] = zeros16

    NFULL = RPT // K
    for q in range(NFULL):
      pltpu.sync_copy(rows_v.at[0, pl.ds(0, K)],
                      acc_sh.at[pl.ds(sid * RPT + q * K, K)])
    REM = RPT - NFULL * K
    if REM:
      pltpu.sync_copy(rows_v.at[0, pl.ds(0, REM)],
                      acc_sh.at[pl.ds(sid * RPT + NFULL * K, REM)])

    plsc.subcore_barrier()

    vpage = vp_hbm.at[c]
    zeros16i = jnp.zeros((16,), jnp.int32)

    def slot(j):
      return lax.rem(j, 3)

    def h_copy(j):
      return pltpu.make_async_copy(
          heads_hbm.at[pl.ds(base + j * K, K)], heads_r.at[slot(j)], sem_h)

    def c_copy(j):
      return pltpu.make_async_copy(
          cols_hbm.at[pl.ds(base + j * K, K)], cols_r.at[slot(j)], sem_c)

    def t_copy(j):
      return pltpu.make_async_copy(
          tails_hbm.at[pl.ds(base + j * K, K)], tails_r.at[slot(j)], sem_t)

    def g_copy(j):
      return pltpu.make_async_copy(
          vpage.at[cols_r.at[slot(j)]], rows_v.at[slot(j)], sem_g)

    def a_copy(j):
      return pltpu.make_async_copy(
          rows_v.at[slot(j)], acc_sh.at[tails_r.at[slot(j)]], sem_a)

    c_copy(0).start()
    c_copy(1).start()
    h_copy(0).start()
    h_copy(1).start()
    t_copy(0).start()
    t_copy(1).start()
    c_copy(0).wait()
    g_copy(0).start()

    @pl.loop(0, NCH)
    def _(j):
      @pl.when(j >= 2)
      def _():
        a_copy(j - 2).wait()

      @pl.when(j + 1 < NCH)
      def _():
        c_copy(j + 1).wait()
        g_copy(j + 1).start()

      @pl.when(j + 2 < NCH)
      def _():
        c_copy(j + 2).start()
        h_copy(j + 2).start()
        t_copy(j + 2).start()

      g_copy(j).wait()
      h_copy(j).wait()
      t_copy(j).wait()

      r3 = slot(j)

      for q in range(K // 16):
        h16 = heads_r[r3, pl.ds(q * 16, 16)]
        s_r[r3, pl.ds(q * 16, 16)] = plsc.load_gather(dist_v, [h16])

      @plsc.parallel_loop(0, K, unroll=4)
      def _(i):
        s16 = plsc.load_gather(s_r, [zeros16i + r3, zeros16i + i])
        for k in range(HALF // 16):
          sl = pl.ds(k * 16, 16)
          rows_v[r3, i, sl] = rows_v[r3, i, sl] * s16

      pltpu.async_copy(
          rows_v.at[r3], acc_sh.at[tails_r.at[r3]], sem_a, add=True)

    a_copy(NCH - 2).wait()
    a_copy(NCH - 1).wait()

    plsc.subcore_barrier()

    WB = (N + NSUB - 1) // NSUB
    WB += (-WB) % 8
    WLAST = N - (NSUB - 1) * WB

    @pl.when(sid < NSUB - 1)
    def _():
      pltpu.sync_copy(
          acc_sh.at[pl.ds(sid * WB, WB)],
          out_hbm.at[pl.ds(sid * WB, WB), pl.ds(c * HALF, HALF)])

    @pl.when(sid == NSUB - 1)
    def _():
      pltpu.sync_copy(
          acc_sh.at[pl.ds((NSUB - 1) * WB, WLAST)],
          out_hbm.at[pl.ds((NSUB - 1) * WB, WLAST), pl.ds(c * HALF, HALF)])

  mesh = plsc.VectorSubcoreMesh(core_axis_name="c", subcore_axis_name="s")
  return pl.kernel(
      body,
      out_type=jax.ShapeDtypeStruct((N, 2 * HALF), jnp.float32),
      mesh=mesh,
      compiler_params=pltpu.CompilerParams(needs_layout_passes=False),
      scratch_types=[
          pltpu.VMEM((N,), jnp.float32),
          pltpu.VMEM((3, K), jnp.int32),
          pltpu.VMEM((3, K), jnp.int32),
          pltpu.VMEM((3, K), jnp.int32),
          pltpu.VMEM((3, K), jnp.float32),
          pltpu.VMEM((3, K, HALF), jnp.float32),
          pltpu.VMEM_SHARED((N, HALF), jnp.float32),
          pltpu.SemaphoreType.DMA,
          pltpu.SemaphoreType.DMA,
          pltpu.SemaphoreType.DMA,
          pltpu.SemaphoreType.DMA,
          pltpu.SemaphoreType.DMA,
      ],
  )


@jax.jit
def kernel(input_vector, batch_heads, batch_rels, batch_tails, batch_ids,
           fact_ids, weight_list, curr_dist, instruction, rel_features, W, b):
  Bv, Mv, Hv = input_vector.shape
  R = rel_features.shape[0]
  E = batch_heads.shape[0]
  N = Bv * Mv
  HALF = Hv // 2

  vp = _build_v_tables(rel_features, instruction, W, b)
  vp = vp.reshape(2, Bv * R, HALF)

  cols = batch_ids.astype(jnp.int32) * R + batch_rels.astype(jnp.int32)

  sc = _make_sc_kernel(E, N, R, HALF)
  out = sc(vp,
           batch_heads.astype(jnp.int32),
           cols,
           batch_tails.astype(jnp.int32),
           curr_dist.reshape(-1).astype(jnp.float32))
  return out.reshape(Bv, Mv, Hv)

# --- scband reference (transcript-rebuilt; emitter-appended) ---
"""Pipeline reference for scband-stlayer-9234179687660 (READ-ONLY COPY).

The authoritative reference and input builder live on the scoring server;
editing this copy changes nothing except your own understanding.
"""

import jax, jax.numpy as jnp
import numpy as np

B, M, H = 20, 500, 256
E = 160000
NUM_RELS = 200

def setup_inputs(seed: int = 0):
    key = jax.random.key(seed)
    ks = jax.random.split(key, 12)
    inp = {}
    inp["input_vector"] = jax.random.normal(ks[0], (B, M, H), dtype=jnp.float32)
    inp["batch_heads"] = jax.random.randint(ks[1], (E,), 0, B * M)
    inp["batch_rels"] = jax.random.randint(ks[2], (E,), 0, NUM_RELS)
    inp["batch_tails"] = jax.random.randint(ks[3], (E,), 0, B * M)
    inp["batch_ids"] = jax.random.randint(ks[4], (E,), 0, B)
    inp["fact_ids"] = jnp.arange(E)
    inp["weight_list"] = jax.random.uniform(ks[5], (E,), dtype=jnp.float32)
    inp["curr_dist"] = jax.random.uniform(ks[6], (B, M), dtype=jnp.float32)
    inp["instruction"] = jax.random.normal(ks[7], (B, H), dtype=jnp.float32)
    inp["rel_features"] = jax.random.normal(ks[8], (NUM_RELS, H), dtype=jnp.float32)
    inp["W"] = jax.random.normal(ks[9], (H, H), dtype=jnp.float32) * (1.0 / np.sqrt(H))
    inp["b"] = jnp.zeros((H,), dtype=jnp.float32)
    return inp

def reference(input_vector, batch_heads, batch_rels, batch_tails, batch_ids, fact_ids, weight_list, curr_dist, instruction, rel_features, W, b):
    Bv, Mv, Hv = input_vector.shape
    num_fact = fact_ids.shape[0]
    # fact_rel = rel_features[batch_rels]; fact_query = instruction[batch_ids]
    fact_rel = jnp.take(rel_features, batch_rels, axis=0)
    fact_query = jnp.take(instruction, batch_ids, axis=0)
    # fact_val = relu(Linear(fact_rel)) * fact_query
    fact_val = jax.nn.relu(fact_rel @ W.T + b) * fact_query
    # head2fact sparse mm with curr_dist.view(-1, 1):
    # sparse entry at (fact_ids[e], batch_heads[e]) = 1 -> segment-sum of gathered dist
    flat_dist = curr_dist.reshape(-1)
    fact_prior = jax.ops.segment_sum(jnp.take(flat_dist, batch_heads), fact_ids, num_segments=num_fact)
    fact_val = fact_val * fact_prior[:, None]
    # fact2tail sparse mm: entry at (batch_tails[e], fact_ids[e]) = 1 -> scatter-add
    gathered = jnp.take(fact_val, fact_ids, axis=0)
    f2e_emb = jnp.zeros((Bv * Mv, Hv), dtype=fact_val.dtype).at[batch_tails].add(gathered)
    return f2e_emb.reshape(Bv, Mv, Hv)

if __name__ == "__main__":
    import jax
    _d = setup_inputs()
    print(jax.jit(kernel)(*tuple(_d.values())))

</pallas_src>

<mosaic_0001>
#map = affine_map<(d0, d1) -> (0, 0, 0)>
#map1 = affine_map<(d0, d1) -> (0)>
#map2 = affine_map<(d0, d1) -> (0, 0)>
module attributes {stable_mosaic.version = 14 : i64} {
  func.func @body(%arg0: i32, %arg1: i32, %arg2: memref<2x4000x128xf32, #tpu.memory_space<hbm>>, %arg3: memref<160000xi32, #tpu.memory_space<hbm>>, %arg4: memref<160000xi32, #tpu.memory_space<hbm>>, %arg5: memref<160000xi32, #tpu.memory_space<hbm>>, %arg6: memref<10000xf32, #tpu.memory_space<hbm>>, %arg7: memref<10000x256xf32, #tpu.memory_space<hbm>>, %arg8: memref<10000xf32, #tpu.memory_space<vmem>>, %arg9: memref<3x80xi32, #tpu.memory_space<vmem>>, %arg10: memref<3x80xi32, #tpu.memory_space<vmem>>, %arg11: memref<3x80xi32, #tpu.memory_space<vmem>>, %arg12: memref<3x80xf32, #tpu.memory_space<vmem>>, %arg13: memref<3x80x128xf32, #tpu.memory_space<vmem>>, %arg14: memref<10000x128xf32, #tpu.memory_space<vmem_shared>>, %arg15: memref<!tpu.dma_semaphore, #tpu.memory_space<semaphore_mem>>, %arg16: memref<!tpu.dma_semaphore, #tpu.memory_space<semaphore_mem>>, %arg17: memref<!tpu.dma_semaphore, #tpu.memory_space<semaphore_mem>>, %arg18: memref<!tpu.dma_semaphore, #tpu.memory_space<semaphore_mem>>, %arg19: memref<!tpu.dma_semaphore, #tpu.memory_space<semaphore_mem>>) attributes {dimension_semantics = [#tpu.dimension_semantics<core_parallel>, #tpu.dimension_semantics<subcore_parallel>], iteration_bounds = array<i64: 2, 16>, scalar_prefetch = 0 : i64, scratch_operands = 12 : i64, tpu.core_type = #tpu.core_type<sc_vector_subcore>, window_params = [{transform_indices = #map}, {transform_indices = #map1}, {transform_indices = #map1}, {transform_indices = #map1}, {transform_indices = #map1}, {transform_indices = #map2}]} {
    %mul3A = arith.constant 10000 : i32
    %mul3A_0 = arith.muli %arg1, %mul3A : i32
    "tpu.region"() ({
      %run_scoped3A_198 = tpu.sem_alloc : memref<!tpu.dma_semaphore, #tpu.memory_space<semaphore_mem>>
      tpu.enqueue_dma source(%arg6 : memref<10000xf32, #tpu.memory_space<hbm>>) target(%arg8 : memref<10000xf32, #tpu.memory_space<vmem>>) target_semaphore(%run_scoped3A_198 : memref<!tpu.dma_semaphore, #tpu.memory_space<semaphore_mem>>)
      tpu.wait_dma2 semaphore(%run_scoped3A_198 : memref<!tpu.dma_semaphore, #tpu.memory_space<semaphore_mem>>) src(%arg6 : memref<10000xf32, #tpu.memory_space<hbm>>) dst(%arg8 : memref<10000xf32, #tpu.memory_space<vmem>>)
      tpu.yield
    }) : () -> ()
    %broadcast_in_dim3A = arith.constant 0.000000e+00 : f32
    %broadcast_in_dim3A_1 = vector.broadcast %broadcast_in_dim3A : f32 to vector<16xf32>
    %scan3A = arith.constant 0 : i32
    %scan3A_2 = arith.constant 80 : i32
    %scan3A_3 = arith.addi %scan3A, %scan3A_2 : i32
    %scan3A_4 = arith.constant 1 : i32
    scf.for %scan3A_198 = %scan3A to %scan3A_3 step %scan3A_4  : i32 {
      %mul3A_199 = arith.constant 1 : i32
      %mul3A_200 = arith.muli %scan3A_198, %mul3A_199 : i32
      %add3A_201 = arith.constant 0 : i32
      %add3A_202 = arith.addi %add3A_201, %mul3A_200 : i32
      %swap3A = arith.constant 0 : i32
      %swap3A_203 = arith.index_cast %swap3A : i32 to index
      %swap3A_204 = arith.index_cast %add3A_202 : i32 to index
      %swap3A_205 = arith.constant 0 : index
      %swap3A_206 = tpu.vector_load %arg13[%swap3A_203, %swap3A_204, %swap3A_205] {strides = array<i32>} : memref<3x80x128xf32, #tpu.memory_space<vmem>>, vector<16xf32>,
      tpu.vector_store %arg13[%swap3A_203, %swap3A_204, %swap3A_205], %broadcast_in_dim3A_1 {strides = array<i32>} : memref<3x80x128xf32, #tpu.memory_space<vmem>>, vector<16xf32>,
      %swap3A_207 = arith.constant 0 : i32
      %swap3A_208 = arith.index_cast %swap3A_207 : i32 to index
      %swap3A_209 = arith.index_cast %add3A_202 : i32 to index
      %swap3A_210 = arith.constant 16 : index
      %swap3A_211 = tpu.vector_load %arg13[%swap3A_208, %swap3A_209, %swap3A_210] {strides = array<i32>} : memref<3x80x128xf32, #tpu.memory_space<vmem>>, vector<16xf32>,
      tpu.vector_store %arg13[%swap3A_208, %swap3A_209, %swap3A_210], %broadcast_in_dim3A_1 {strides = array<i32>} : memref<3x80x128xf32, #tpu.memory_space<vmem>>, vector<16xf32>,
      %swap3A_212 = arith.constant 0 : i32
      %swap3A_213 = arith.index_cast %swap3A_212 : i32 to index
      %swap3A_214 = arith.index_cast %add3A_202 : i32 to index
      %swap3A_215 = arith.constant 32 : index
      %swap3A_216 = tpu.vector_load %arg13[%swap3A_213, %swap3A_214, %swap3A_215] {strides = array<i32>} : memref<3x80x128xf32, #tpu.memory_space<vmem>>, vector<16xf32>,
      tpu.vector_store %arg13[%swap3A_213, %swap3A_214, %swap3A_215], %broadcast_in_dim3A_1 {strides = array<i32>} : memref<3x80x128xf32, #tpu.memory_space<vmem>>, vector<16xf32>,
      %swap3A_217 = arith.constant 0 : i32
      %swap3A_218 = arith.index_cast %swap3A_217 : i32 to index
      %swap3A_219 = arith.index_cast %add3A_202 : i32 to index
      %swap3A_220 = arith.constant 48 : index
      %swap3A_221 = tpu.vector_load %arg13[%swap3A_218, %swap3A_219, %swap3A_220] {strides = array<i32>} : memref<3x80x128xf32, #tpu.memory_space<vmem>>, vector<16xf32>,
      tpu.vector_store %arg13[%swap3A_218, %swap3A_219, %swap3A_220], %broadcast_in_dim3A_1 {strides = array<i32>} : memref<3x80x128xf32, #tpu.memory_space<vmem>>, vector<16xf32>,
      %swap3A_222 = arith.constant 0 : i32
      %swap3A_223 = arith.index_cast %swap3A_222 : i32 to index
      %swap3A_224 = arith.index_cast %add3A_202 : i32 to index
      %swap3A_225 = arith.constant 64 : index
      %swap3A_226 = tpu.vector_load %arg13[%swap3A_223, %swap3A_224, %swap3A_225] {strides = array<i32>} : memref<3x80x128xf32, #tpu.memory_space<vmem>>, vector<16xf32>,
      tpu.vector_store %arg13[%swap3A_223, %swap3A_224, %swap3A_225], %broadcast_in_dim3A_1 {strides = array<i32>} : memref<3x80x128xf32, #tpu.memory_space<vmem>>, vector<16xf32>,
      %swap3A_227 = arith.constant 0 : i32
      %swap3A_228 = arith.index_cast %swap3A_227 : i32 to index
      %swap3A_229 = arith.index_cast %add3A_202 : i32 to index
      %swap3A_230 = arith.constant 80 : index
      %swap3A_231 = tpu.vector_load %arg13[%swap3A_228, %swap3A_229, %swap3A_230] {strides = array<i32>} : memref<3x80x128xf32, #tpu.memory_space<vmem>>, vector<16xf32>,
      tpu.vector_store %arg13[%swap3A_228, %swap3A_229, %swap3A_230], %broadcast_in_dim3A_1 {strides = array<i32>} : memref<3x80x128xf32, #tpu.memory_space<vmem>>, vector<16xf32>,
      %swap3A_232 = arith.constant 0 : i32
      %swap3A_233 = arith.index_cast %swap3A_232 : i32 to index
      %swap3A_234 = arith.index_cast %add3A_202 : i32 to index
      %swap3A_235 = arith.constant 96 : index
      %swap3A_236 = tpu.vector_load %arg13[%swap3A_233, %swap3A_234, %swap3A_235] {strides = array<i32>} : memref<3x80x128xf32, #tpu.memory_space<vmem>>, vector<16xf32>,
      tpu.vector_store %arg13[%swap3A_233, %swap3A_234, %swap3A_235], %broadcast_in_dim3A_1 {strides = array<i32>} : memref<3x80x128xf32, #tpu.memory_space<vmem>>, vector<16xf32>,
      %swap3A_237 = arith.constant 0 : i32
      %swap3A_238 = arith.index_cast %swap3A_237 : i32 to index
      %swap3A_239 = arith.index_cast %add3A_202 : i32 to index
      %swap3A_240 = arith.constant 112 : index
      %swap3A_241 = tpu.vector_load %arg13[%swap3A_238, %swap3A_239, %swap3A_240] {strides = array<i32>} : memref<3x80x128xf32, #tpu.memory_space<vmem>>, vector<16xf32>,
      tpu.vector_store %arg13[%swap3A_238, %swap3A_239, %swap3A_240], %broadcast_in_dim3A_1 {strides = array<i32>} : memref<3x80x128xf32, #tpu.memory_space<vmem>>, vector<16xf32>,
    }
    %scan3A_5 = arith.constant 80 : i32
    %mul3A_6 = arith.constant 625 : i32
    %mul3A_7 = arith.muli %arg1, %mul3A_6 : i32
    %add3A = arith.constant 0 : i32
    %add3A_8 = arith.addi %mul3A_7, %add3A : i32
    %run_scoped3A = arith.constant 0 : i32
    "tpu.region"() ({
      %run_scoped3A_198 = tpu.sem_alloc : memref<!tpu.dma_semaphore, #tpu.memory_space<semaphore_mem>>
      %dma_start3A_199 = arith.constant 0 : i32
      %dma_start3A_200 = arith.constant 0 : i32
      %dma_start3A_201 = tpu.memref_slice %arg13[%run_scoped3A, %dma_start3A_199, %dma_start3A_200] : memref<3x80x128xf32, #tpu.memory_space<vmem>> -> memref<1x80x128xf32, #tpu.memory_space<vmem>>
      %dma_start3A_202 = tpu.memref_squeeze %dma_start3A_201 : memref<1x80x128xf32, #tpu.memory_space<vmem>> -> memref<80x128xf32, #tpu.memory_space<vmem>>
      %dma_start3A_203 = arith.constant 0 : i32
      %dma_start3A_204 = tpu.memref_slice %arg14[%add3A_8, %dma_start3A_203] : memref<10000x128xf32, #tpu.memory_space<vmem_shared>> -> memref<80x128xf32, #tpu.memory_space<vmem_shared>>
      %dma_start3A_205 = arith.constant 0 : i32
      %dma_start3A_206 = tpu.memref_slice %arg14[%add3A_8, %dma_start3A_205] : memref<10000x128xf32, #tpu.memory_space<vmem_shared>> -> memref<80x128xf32, #tpu.memory_space<vmem_shared>>
      %dma_start3A_207 = arith.constant 0 : i32
      %dma_start3A_208 = arith.constant 0 : i32
      %dma_start3A_209 = tpu.memref_slice %arg13[%run_scoped3A, %dma_start3A_207, %dma_start3A_208] : memref<3x80x128xf32, #tpu.memory_space<vmem>> -> memref<1x80x128xf32, #tpu.memory_space<vmem>>
      %dma_start3A_210 = tpu.memref_squeeze %dma_start3A_209 : memref<1x80x128xf32, #tpu.memory_space<vmem>> -> memref<80x128xf32, #tpu.memory_space<vmem>>
      tpu.enqueue_dma source(%dma_start3A_210 : memref<80x128xf32, #tpu.memory_space<vmem>>) target(%dma_start3A_206 : memref<80x128xf32, #tpu.memory_space<vmem_shared>>) target_semaphore(%run_scoped3A_198 : memref<!tpu.dma_semaphore, #tpu.memory_space<semaphore_mem>>)
      %dma_wait3A_211 = arith.constant 0 : i32
      %dma_wait3A_212 = arith.constant 0 : i32
      %dma_wait3A_213 = tpu.memref_slice %arg13[%run_scoped3A, %dma_wait3A_211, %dma_wait3A_212] : memref<3x80x128xf32, #tpu.memory_space<vmem>> -> memref<1x80x128xf32, #tpu.memory_space<vmem>>
      %dma_wait3A_214 = tpu.memref_squeeze %dma_wait3A_213 : memref<1x80x128xf32, #tpu.memory_space<vmem>> -> memref<80x128xf32, #tpu.memory_space<vmem>>
      %dma_wait3A_215 = arith.constant 0 : i32
      %dma_wait3A_216 = tpu.memref_slice %arg14[%add3A_8, %dma_wait3A_215] : memref<10000x128xf32, #tpu.memory_space<vmem_shared>> -> memref<80x128xf32, #tpu.memory_space<vmem_shared>>
      %dma_wait3A_217 = arith.constant 0 : i32
      %dma_wait3A_218 = tpu.memref_slice %arg14[%add3A_8, %dma_wait3A_217] : memref<10000x128xf32, #tpu.memory_space<vmem_shared>> -> memref<80x128xf32, #tpu.memory_space<vmem_shared>>
      %dma_wait3A_219 = arith.constant 0 : i32
      %dma_wait3A_220 = arith.constant 0 : i32
      %dma_wait3A_221 = tpu.memref_slice %arg13[%run_scoped3A, %dma_wait3A_219, %dma_wait3A_220] : memref<3x80x128xf32, #tpu.memory_space<vmem>> -> memref<1x80x128xf32, #tpu.memory_space<vmem>>
      %dma_wait3A_222 = tpu.memref_squeeze %dma_wait3A_221 : memref<1x80x128xf32, #tpu.memory_space<vmem>> -> memref<80x128xf32, #tpu.memory_space<vmem>>
      tpu.wait_dma2 semaphore(%run_scoped3A_198 : memref<!tpu.dma_semaphore, #tpu.memory_space<semaphore_mem>>) src(%dma_wait3A_222 : memref<80x128xf32, #tpu.memory_space<vmem>>) dst(%dma_wait3A_218 : memref<80x128xf32, #tpu.memory_space<vmem_shared>>)
      tpu.yield
    }) : () -> ()
    %mul3A_9 = arith.constant 625 : i32
    %mul3A_10 = arith.muli %arg1, %mul3A_9 : i32
    %add3A_11 = arith.constant 80 : i32
    %add3A_12 = arith.addi %mul3A_10, %add3A_11 : i32
    %run_scoped3A_13 = arith.constant 0 : i32
    "tpu.region"() ({
      %run_scoped3A_198 = tpu.sem_alloc : memref<!tpu.dma_semaphore, #tpu.memory_space<semaphore_mem>>
      %dma_start3A_199 = arith.constant 0 : i32
      %dma_start3A_200 = arith.constant 0 : i32
      %dma_start3A_201 = tpu.memref_slice %arg13[%run_scoped3A_13, %dma_start3A_199, %dma_start3A_200] : memref<3x80x128xf32, #tpu.memory_space<vmem>> -> memref<1x80x128xf32, #tpu.memory_space<vmem>>
      %dma_start3A_202 = tpu.memref_squeeze %dma_start3A_201 : memref<1x80x128xf32, #tpu.memory_space<vmem>> -> memref<80x128xf32, #tpu.memory_space<vmem>>
      %dma_start3A_203 = arith.constant 0 : i32
      %dma_start3A_204 = tpu.memref_slice %arg14[%add3A_12, %dma_start3A_203] : memref<10000x128xf32, #tpu.memory_space<vmem_shared>> -> memref<80x128xf32, #tpu.memory_space<vmem_shared>>
      %dma_start3A_205 = arith.constant 0 : i32
      %dma_start3A_206 = tpu.memref_slice %arg14[%add3A_12, %dma_start3A_205] : memref<10000x128xf32, #tpu.memory_space<vmem_shared>> -> memref<80x128xf32, #tpu.memory_space<vmem_shared>>
      %dma_start3A_207 = arith.constant 0 : i32
      %dma_start3A_208 = arith.constant 0 : i32
      %dma_start3A_209 = tpu.memref_slice %arg13[%run_scoped3A_13, %dma_start3A_207, %dma_start3A_208] : memref<3x80x128xf32, #tpu.memory_space<vmem>> -> memref<1x80x128xf32, #tpu.memory_space<vmem>>
      %dma_start3A_210 = tpu.memref_squeeze %dma_start3A_209 : memref<1x80x128xf32, #tpu.memory_space<vmem>> -> memref<80x128xf32, #tpu.memory_space<vmem>>
      tpu.enqueue_dma source(%dma_start3A_210 : memref<80x128xf32, #tpu.memory_space<vmem>>) target(%dma_start3A_206 : memref<80x128xf32, #tpu.memory_space<vmem_shared>>) target_semaphore(%run_scoped3A_198 : memref<!tpu.dma_semaphore, #tpu.memory_space<semaphore_mem>>)
      %dma_wait3A_211 = arith.constant 0 : i32
      %dma_wait3A_212 = arith.constant 0 : i32
      %dma_wait3A_213 = tpu.memref_slice %arg13[%run_scoped3A_13, %dma_wait3A_211, %dma_wait3A_212] : memref<3x80x128xf32, #tpu.memory_space<vmem>> -> memref<1x80x128xf32, #tpu.memory_space<vmem>>
      %dma_wait3A_214 = tpu.memref_squeeze %dma_wait3A_213 : memref<1x80x128xf32, #tpu.memory_space<vmem>> -> memref<80x128xf32, #tpu.memory_space<vmem>>
      %dma_wait3A_215 = arith.constant 0 : i32
      %dma_wait3A_216 = tpu.memref_slice %arg14[%add3A_12, %dma_wait3A_215] : memref<10000x128xf32, #tpu.memory_space<vmem_shared>> -> memref<80x128xf32, #tpu.memory_space<vmem_shared>>
      %dma_wait3A_217 = arith.constant 0 : i32
      %dma_wait3A_218 = tpu.memref_slice %arg14[%add3A_12, %dma_wait3A_217] : memref<10000x128xf32, #tpu.memory_space<vmem_shared>> -> memref<80x128xf32, #tpu.memory_space<vmem_shared>>
      %dma_wait3A_219 = arith.constant 0 : i32
      %dma_wait3A_220 = arith.constant 0 : i32
      %dma_wait3A_221 = tpu.memref_slice %arg13[%run_scoped3A_13, %dma_wait3A_219, %dma_wait3A_220] : memref<3x80x128xf32, #tpu.memory_space<vmem>> -> memref<1x80x128xf32, #tpu.memory_space<vmem>>
      %dma_wait3A_222 = tpu.memref_squeeze %dma_wait3A_221 : memref<1x80x128xf32, #tpu.memory_space<vmem>> -> memref<80x128xf32, #tpu.memory_space<vmem>>
      tpu.wait_dma2 semaphore(%run_scoped3A_198 : memref<!tpu.dma_semaphore, #tpu.memory_space<semaphore_mem>>) src(%dma_wait3A_222 : memref<80x128xf32, #tpu.memory_space<vmem>>) dst(%dma_wait3A_218 : memref<80x128xf32, #tpu.memory_space<vmem_shared>>)
      tpu.yield
    }) : () -> ()
    %mul3A_14 = arith.constant 625 : i32
    %mul3A_15 = arith.muli %arg1, %mul3A_14 : i32
    %add3A_16 = arith.constant 160 : i32
    %add3A_17 = arith.addi %mul3A_15, %add3A_16 : i32
    %run_scoped3A_18 = arith.constant 0 : i32
    "tpu.region"() ({
      %run_scoped3A_198 = tpu.sem_alloc : memref<!tpu.dma_semaphore, #tpu.memory_space<semaphore_mem>>
      %dma_start3A_199 = arith.constant 0 : i32
      %dma_start3A_200 = arith.constant 0 : i32
      %dma_start3A_201 = tpu.memref_slice %arg13[%run_scoped3A_18, %dma_start3A_199, %dma_start3A_200] : memref<3x80x128xf32, #tpu.memory_space<vmem>> -> memref<1x80x128xf32, #tpu.memory_space<vmem>>
      %dma_start3A_202 = tpu.memref_squeeze %dma_start3A_201 : memref<1x80x128xf32, #tpu.memory_space<vmem>> -> memref<80x128xf32, #tpu.memory_space<vmem>>
      %dma_start3A_203 = arith.constant 0 : i32
      %dma_start3A_204 = tpu.memref_slice %arg14[%add3A_17, %dma_start3A_203] : memref<10000x128xf32, #tpu.memory_space<vmem_shared>> -> memref<80x128xf32, #tpu.memory_space<vmem_shared>>
      %dma_start3A_205 = arith.constant 0 : i32
      %dma_start3A_206 = tpu.memref_slice %arg14[%add3A_17, %dma_start3A_205] : memref<10000x128xf32, #tpu.memory_space<vmem_shared>> -> memref<80x128xf32, #tpu.memory_space<vmem_shared>>
      %dma_start3A_207 = arith.constant 0 : i32
      %dma_start3A_208 = arith.constant 0 : i32
      %dma_start3A_209 = tpu.memref_slice %arg13[%run_scoped3A_18, %dma_start3A_207, %dma_start3A_208] : memref<3x80x128xf32, #tpu.memory_space<vmem>> -> memref<1x80x128xf32, #tpu.memory_space<vmem>>
      %dma_start3A_210 = tpu.memref_squeeze %dma_start3A_209 : memref<1x80x128xf32, #tpu.memory_space<vmem>> -> memref<80x128xf32, #tpu.memory_space<vmem>>
      tpu.enqueue_dma source(%dma_start3A_210 : memref<80x128xf32, #tpu.memory_space<vmem>>) target(%dma_start3A_206 : memref<80x128xf32, #tpu.memory_space<vmem_shared>>) target_semaphore(%run_scoped3A_198 : memref<!tpu.dma_semaphore, #tpu.memory_space<semaphore_mem>>)
      %dma_wait3A_211 = arith.constant 0 : i32
      %dma_wait3A_212 = arith.constant 0 : i32
      %dma_wait3A_213 = tpu.memref_slice %arg13[%run_scoped3A_18, %dma_wait3A_211, %dma_wait3A_212] : memref<3x80x128xf32, #tpu.memory_space<vmem>> -> memref<1x80x128xf32, #tpu.memory_space<vmem>>
      %dma_wait3A_214 = tpu.memref_squeeze %dma_wait3A_213 : memref<1x80x128xf32, #tpu.memory_space<vmem>> -> memref<80x128xf32, #tpu.memory_space<vmem>>
      %dma_wait3A_215 = arith.constant 0 : i32
      %dma_wait3A_216 = tpu.memref_slice %arg14[%add3A_17, %dma_wait3A_215] : memref<10000x128xf32, #tpu.memory_space<vmem_shared>> -> memref<80x128xf32, #tpu.memory_space<vmem_shared>>
      %dma_wait3A_217 = arith.constant 0 : i32
      %dma_wait3A_218 = tpu.memref_slice %arg14[%add3A_17, %dma_wait3A_217] : memref<10000x128xf32, #tpu.memory_space<vmem_shared>> -> memref<80x128xf32, #tpu.memory_space<vmem_shared>>
      %dma_wait3A_219 = arith.constant 0 : i32
      %dma_wait3A_220 = arith.constant 0 : i32
      %dma_wait3A_221 = tpu.memref_slice %arg13[%run_scoped3A_18, %dma_wait3A_219, %dma_wait3A_220] : memref<3x80x128xf32, #tpu.memory_space<vmem>> -> memref<1x80x128xf32, #tpu.memory_space<vmem>>
      %dma_wait3A_222 = tpu.memref_squeeze %dma_wait3A_221 : memref<1x80x128xf32, #tpu.memory_space<vmem>> -> memref<80x128xf32, #tpu.memory_space<vmem>>
      tpu.wait_dma2 semaphore(%run_scoped3A_198 : memref<!tpu.dma_semaphore, #tpu.memory_space<semaphore_mem>>) src(%dma_wait3A_222 : memref<80x128xf32, #tpu.memory_space<vmem>>) dst(%dma_wait3A_218 : memref<80x128xf32, #tpu.memory_space<vmem_shared>>)
      tpu.yield
    }) : () -> ()
    %mul3A_19 = arith.constant 625 : i32
    %mul3A_20 = arith.muli %arg1, %mul3A_19 : i32
    %add3A_21 = arith.constant 240 : i32
    %add3A_22 = arith.addi %mul3A_20, %add3A_21 : i32
    %run_scoped3A_23 = arith.constant 0 : i32
    "tpu.region"() ({
      %run_scoped3A_198 = tpu.sem_alloc : memref<!tpu.dma_semaphore, #tpu.memory_space<semaphore_mem>>
      %dma_start3A_199 = arith.constant 0 : i32
      %dma_start3A_200 = arith.constant 0 : i32
      %dma_start3A_201 = tpu.memref_slice %arg13[%run_scoped3A_23, %dma_start3A_199, %dma_start3A_200] : memref<3x80x128xf32, #tpu.memory_space<vmem>> -> memref<1x80x128xf32, #tpu.memory_space<vmem>>
      %dma_start3A_202 = tpu.memref_squeeze %dma_start3A_201 : memref<1x80x128xf32, #tpu.memory_space<vmem>> -> memref<80x128xf32, #tpu.memory_space<vmem>>
      %dma_start3A_203 = arith.constant 0 : i32
      %dma_start3A_204 = tpu.memref_slice %arg14[%add3A_22, %dma_start3A_203] : memref<10000x128xf32, #tpu.memory_space<vmem_shared>> -> memref<80x128xf32, #tpu.memory_space<vmem_shared>>
      %dma_start3A_205 = arith.constant 0 : i32
      %dma_start3A_206 = tpu.memref_slice %arg14[%add3A_22, %dma_start3A_205] : memref<10000x128xf32, #tpu.memory_space<vmem_shared>> -> memref<80x128xf32, #tpu.memory_space<vmem_shared>>
      %dma_start3A_207 = arith.constant 0 : i32
      %dma_start3A_208 = arith.constant 0 : i32
      %dma_start3A_209 = tpu.memref_slice %arg13[%run_scoped3A_23, %dma_start3A_207, %dma_start3A_208] : memref<3x80x128xf32, #tpu.memory_space<vmem>> -> memref<1x80x128xf32, #tpu.memory_space<vmem>>
      %dma_start3A_210 = tpu.memref_squeeze %dma_start3A_209 : memref<1x80x128xf32, #tpu.memory_space<vmem>> -> memref<80x128xf32, #tpu.memory_space<vmem>>
      tpu.enqueue_dma source(%dma_start3A_210 : memref<80x128xf32, #tpu.memory_space<vmem>>) target(%dma_start3A_206 : memref<80x128xf32, #tpu.memory_space<vmem_shared>>) target_semaphore(%run_scoped3A_198 : memref<!tpu.dma_semaphore, #tpu.memory_space<semaphore_mem>>)
      %dma_wait3A_211 = arith.constant 0 : i32
      %dma_wait3A_212 = arith.constant 0 : i32
      %dma_wait3A_213 = tpu.memref_slice %arg13[%run_scoped3A_23, %dma_wait3A_211, %dma_wait3A_212] : memref<3x80x128xf32, #tpu.memory_space<vmem>> -> memref<1x80x128xf32, #tpu.memory_space<vmem>>
      %dma_wait3A_214 = tpu.memref_squeeze %dma_wait3A_213 : memref<1x80x128xf32, #tpu.memory_space<vmem>> -> memref<80x128xf32, #tpu.memory_space<vmem>>
      %dma_wait3A_215 = arith.constant 0 : i32
      %dma_wait3A_216 = tpu.memref_slice %arg14[%add3A_22, %dma_wait3A_215] : memref<10000x128xf32, #tpu.memory_space<vmem_shared>> -> memref<80x128xf32, #tpu.memory_space<vmem_shared>>
      %dma_wait3A_217 = arith.constant 0 : i32
      %dma_wait3A_218 = tpu.memref_slice %arg14[%add3A_22, %dma_wait3A_217] : memref<10000x128xf32, #tpu.memory_space<vmem_shared>> -> memref<80x128xf32, #tpu.memory_space<vmem_shared>>
      %dma_wait3A_219 = arith.constant 0 : i32
      %dma_wait3A_220 = arith.constant 0 : i32
      %dma_wait3A_221 = tpu.memref_slice %arg13[%run_scoped3A_23, %dma_wait3A_219, %dma_wait3A_220] : memref<3x80x128xf32, #tpu.memory_space<vmem>> -> memref<1x80x128xf32, #tpu.memory_space<vmem>>
      %dma_wait3A_222 = tpu.memref_squeeze %dma_wait3A_221 : memref<1x80x128xf32, #tpu.memory_space<vmem>> -> memref<80x128xf32, #tpu.memory_space<vmem>>
      tpu.wait_dma2 semaphore(%run_scoped3A_198 : memref<!tpu.dma_semaphore, #tpu.memory_space<semaphore_mem>>) src(%dma_wait3A_222 : memref<80x128xf32, #tpu.memory_space<vmem>>) dst(%dma_wait3A_218 : memref<80x128xf32, #tpu.memory_space<vmem_shared>>)
      tpu.yield
    }) : () -> ()
    %mul3A_24 = arith.constant 625 : i32
    %mul3A_25 = arith.muli %arg1, %mul3A_24 : i32
    %add3A_26 = arith.constant 320 : i32
    %add3A_27 = arith.addi %mul3A_25, %add3A_26 : i32
    %run_scoped3A_28 = arith.constant 0 : i32
    "tpu.region"() ({
      %run_scoped3A_198 = tpu.sem_alloc : memref<!tpu.dma_semaphore, #tpu.memory_space<semaphore_mem>>
      %dma_start3A_199 = arith.constant 0 : i32
      %dma_start3A_200 = arith.constant 0 : i32
      %dma_start3A_201 = tpu.memref_slice %arg13[%run_scoped3A_28, %dma_start3A_199, %dma_start3A_200] : memref<3x80x128xf32, #tpu.memory_space<vmem>> -> memref<1x80x128xf32, #tpu.memory_space<vmem>>
      %dma_start3A_202 = tpu.memref_squeeze %dma_start3A_201 : memref<1x80x128xf32, #tpu.memory_space<vmem>> -> memref<80x128xf32, #tpu.memory_space<vmem>>
      %dma_start3A_203 = arith.constant 0 : i32
      %dma_start3A_204 = tpu.memref_slice %arg14[%add3A_27, %dma_start3A_203] : memref<10000x128xf32, #tpu.memory_space<vmem_shared>> -> memref<80x128xf32, #tpu.memory_space<vmem_shared>>
      %dma_start3A_205 = arith.constant 0 : i32
      %dma_start3A_206 = tpu.memref_slice %arg14[%add3A_27, %dma_start3A_205] : memref<10000x128xf32, #tpu.memory_space<vmem_shared>> -> memref<80x128xf32, #tpu.memory_space<vmem_shared>>
      %dma_start3A_207 = arith.constant 0 : i32
      %dma_start3A_208 = arith.constant 0 : i32
      %dma_start3A_209 = tpu.memref_slice %arg13[%run_scoped3A_28, %dma_start3A_207, %dma_start3A_208] : memref<3x80x128xf32, #tpu.memory_space<vmem>> -> memref<1x80x128xf32, #tpu.memory_space<vmem>>
      %dma_start3A_210 = tpu.memref_squeeze %dma_start3A_209 : memref<1x80x128xf32, #tpu.memory_space<vmem>> -> memref<80x128xf32, #tpu.memory_space<vmem>>
      tpu.enqueue_dma source(%dma_start3A_210 : memref<80x128xf32, #tpu.memory_space<vmem>>) target(%dma_start3A_206 : memref<80x128xf32, #tpu.memory_space<vmem_shared>>) target_semaphore(%run_scoped3A_198 : memref<!tpu.dma_semaphore, #tpu.memory_space<semaphore_mem>>)
      %dma_wait3A_211 = arith.constant 0 : i32
      %dma_wait3A_212 = arith.constant 0 : i32
      %dma_wait3A_213 = tpu.memref_slice %arg13[%run_scoped3A_28, %dma_wait3A_211, %dma_wait3A_212] : memref<3x80x128xf32, #tpu.memory_space<vmem>> -> memref<1x80x128xf32, #tpu.memory_space<vmem>>
      %dma_wait3A_214 = tpu.memref_squeeze %dma_wait3A_213 : memref<1x80x128xf32, #tpu.memory_space<vmem>> -> memref<80x128xf32, #tpu.memory_space<vmem>>
      %dma_wait3A_215 = arith.constant 0 : i32
      %dma_wait3A_216 = tpu.memref_slice %arg14[%add3A_27, %dma_wait3A_215] : memref<10000x128xf32, #tpu.memory_space<vmem_shared>> -> memref<80x128xf32, #tpu.memory_space<vmem_shared>>
      %dma_wait3A_217 = arith.constant 0 : i32
      %dma_wait3A_218 = tpu.memref_slice %arg14[%add3A_27, %dma_wait3A_217] : memref<10000x128xf32, #tpu.memory_space<vmem_shared>> -> memref<80x128xf32, #tpu.memory_space<vmem_shared>>
      %dma_wait3A_219 = arith.constant 0 : i32
      %dma_wait3A_220 = arith.constant 0 : i32
      %dma_wait3A_221 = tpu.memref_slice %arg13[%run_scoped3A_28, %dma_wait3A_219, %dma_wait3A_220] : memref<3x80x128xf32, #tpu.memory_space<vmem>> -> memref<1x80x128xf32, #tpu.memory_space<vmem>>
      %dma_wait3A_222 = tpu.memref_squeeze %dma_wait3A_221 : memref<1x80x128xf32, #tpu.memory_space<vmem>> -> memref<80x128xf32, #tpu.memory_space<vmem>>
      tpu.wait_dma2 semaphore(%run_scoped3A_198 : memref<!tpu.dma_semaphore, #tpu.memory_space<semaphore_mem>>) src(%dma_wait3A_222 : memref<80x128xf32, #tpu.memory_space<vmem>>) dst(%dma_wait3A_218 : memref<80x128xf32, #tpu.memory_space<vmem_shared>>)
      tpu.yield
    }) : () -> ()
    %mul3A_29 = arith.constant 625 : i32
    %mul3A_30 = arith.muli %arg1, %mul3A_29 : i32
    %add3A_31 = arith.constant 400 : i32
    %add3A_32 = arith.addi %mul3A_30, %add3A_31 : i32
    %run_scoped3A_33 = arith.constant 0 : i32
    "tpu.region"() ({
      %run_scoped3A_198 = tpu.sem_alloc : memref<!tpu.dma_semaphore, #tpu.memory_space<semaphore_mem>>
      %dma_start3A_199 = arith.constant 0 : i32
      %dma_start3A_200 = arith.constant 0 : i32
      %dma_start3A_201 = tpu.memref_slice %arg13[%run_scoped3A_33, %dma_start3A_199, %dma_start3A_200] : memref<3x80x128xf32, #tpu.memory_space<vmem>> -> memref<1x80x128xf32, #tpu.memory_space<vmem>>
      %dma_start3A_202 = tpu.memref_squeeze %dma_start3A_201 : memref<1x80x128xf32, #tpu.memory_space<vmem>> -> memref<80x128xf32, #tpu.memory_space<vmem>>
      %dma_start3A_203 = arith.constant 0 : i32
      %dma_start3A_204 = tpu.memref_slice %arg14[%add3A_32, %dma_start3A_203] : memref<10000x128xf32, #tpu.memory_space<vmem_shared>> -> memref<80x128xf32, #tpu.memory_space<vmem_shared>>
      %dma_start3A_205 = arith.constant 0 : i32
      %dma_start3A_206 = tpu.memref_slice %arg14[%add3A_32, %dma_start3A_205] : memref<10000x128xf32, #tpu.memory_space<vmem_shared>> -> memref<80x128xf32, #tpu.memory_space<vmem_shared>>
      %dma_start3A_207 = arith.constant 0 : i32
      %dma_start3A_208 = arith.constant 0 : i32
      %dma_start3A_209 = tpu.memref_slice %arg13[%run_scoped3A_33, %dma_start3A_207, %dma_start3A_208] : memref<3x80x128xf32, #tpu.memory_space<vmem>> -> memref<1x80x128xf32, #tpu.memory_space<vmem>>
      %dma_start3A_210 = tpu.memref_squeeze %dma_start3A_209 : memref<1x80x128xf32, #tpu.memory_space<vmem>> -> memref<80x128xf32, #tpu.memory_space<vmem>>
      tpu.enqueue_dma source(%dma_start3A_210 : memref<80x128xf32, #tpu.memory_space<vmem>>) target(%dma_start3A_206 : memref<80x128xf32, #tpu.memory_space<vmem_shared>>) target_semaphore(%run_scoped3A_198 : memref<!tpu.dma_semaphore, #tpu.memory_space<semaphore_mem>>)
      %dma_wait3A_211 = arith.constant 0 : i32
      %dma_wait3A_212 = arith.constant 0 : i32
      %dma_wait3A_213 = tpu.memref_slice %arg13[%run_scoped3A_33, %dma_wait3A_211, %dma_wait3A_212] : memref<3x80x128xf32, #tpu.memory_space<vmem>> -> memref<1x80x128xf32, #tpu.memory_space<vmem>>
      %dma_wait3A_214 = tpu.memref_squeeze %dma_wait3A_213 : memref<1x80x128xf32, #tpu.memory_space<vmem>> -> memref<80x128xf32, #tpu.memory_space<vmem>>
      %dma_wait3A_215 = arith.constant 0 : i32
      %dma_wait3A_216 = tpu.memref_slice %arg14[%add3A_32, %dma_wait3A_215] : memref<10000x128xf32, #tpu.memory_space<vmem_shared>> -> memref<80x128xf32, #tpu.memory_space<vmem_shared>>
      %dma_wait3A_217 = arith.constant 0 : i32
      %dma_wait3A_218 = tpu.memref_slice %arg14[%add3A_32, %dma_wait3A_217] : memref<10000x128xf32, #tpu.memory_space<vmem_shared>> -> memref<80x128xf32, #tpu.memory_space<vmem_shared>>
      %dma_wait3A_219 = arith.constant 0 : i32
      %dma_wait3A_220 = arith.constant 0 : i32
      %dma_wait3A_221 = tpu.memref_slice %arg13[%run_scoped3A_33, %dma_wait3A_219, %dma_wait3A_220] : memref<3x80x128xf32, #tpu.memory_space<vmem>> -> memref<1x80x128xf32, #tpu.memory_space<vmem>>
      %dma_wait3A_222 = tpu.memref_squeeze %dma_wait3A_221 : memref<1x80x128xf32, #tpu.memory_space<vmem>> -> memref<80x128xf32, #tpu.memory_space<vmem>>
      tpu.wait_dma2 semaphore(%run_scoped3A_198 : memref<!tpu.dma_semaphore, #tpu.memory_space<semaphore_mem>>) src(%dma_wait3A_222 : memref<80x128xf32, #tpu.memory_space<vmem>>) dst(%dma_wait3A_218 : memref<80x128xf32, #tpu.memory_space<vmem_shared>>)
      tpu.yield
    }) : () -> ()
    %mul3A_34 = arith.constant 625 : i32
    %mul3A_35 = arith.muli %arg1, %mul3A_34 : i32
    %add3A_36 = arith.constant 480 : i32
    %add3A_37 = arith.addi %mul3A_35, %add3A_36 : i32
    %run_scoped3A_38 = arith.constant 0 : i32
    "tpu.region"() ({
      %run_scoped3A_198 = tpu.sem_alloc : memref<!tpu.dma_semaphore, #tpu.memory_space<semaphore_mem>>
      %dma_start3A_199 = arith.constant 0 : i32
      %dma_start3A_200 = arith.constant 0 : i32
      %dma_start3A_201 = tpu.memref_slice %arg13[%run_scoped3A_38, %dma_start3A_199, %dma_start3A_200] : memref<3x80x128xf32, #tpu.memory_space<vmem>> -> memref<1x80x128xf32, #tpu.memory_space<vmem>>
      %dma_start3A_202 = tpu.memref_squeeze %dma_start3A_201 : memref<1x80x128xf32, #tpu.memory_space<vmem>> -> memref<80x128xf32, #tpu.memory_space<vmem>>
      %dma_start3A_203 = arith.constant 0 : i32
      %dma_start3A_204 = tpu.memref_slice %arg14[%add3A_37, %dma_start3A_203] : memref<10000x128xf32, #tpu.memory_space<vmem_shared>> -> memref<80x128xf32, #tpu.memory_space<vmem_shared>>
      %dma_start3A_205 = arith.constant 0 : i32
      %dma_start3A_206 = tpu.memref_slice %arg14[%add3A_37, %dma_start3A_205] : memref<10000x128xf32, #tpu.memory_space<vmem_shared>> -> memref<80x128xf32, #tpu.memory_space<vmem_shared>>
      %dma_start3A_207 = arith.constant 0 : i32
      %dma_start3A_208 = arith.constant 0 : i32
      %dma_start3A_209 = tpu.memref_slice %arg13[%run_scoped3A_38, %dma_start3A_207, %dma_start3A_208] : memref<3x80x128xf32, #tpu.memory_space<vmem>> -> memref<1x80x128xf32, #tpu.memory_space<vmem>>
      %dma_start3A_210 = tpu.memref_squeeze %dma_start3A_209 : memref<1x80x128xf32, #tpu.memory_space<vmem>> -> memref<80x128xf32, #tpu.memory_space<vmem>>
      tpu.enqueue_dma source(%dma_start3A_210 : memref<80x128xf32, #tpu.memory_space<vmem>>) target(%dma_start3A_206 : memref<80x128xf32, #tpu.memory_space<vmem_shared>>) target_semaphore(%run_scoped3A_198 : memref<!tpu.dma_semaphore, #tpu.memory_space<semaphore_mem>>)
      %dma_wait3A_211 = arith.constant 0 : i32
      %dma_wait3A_212 = arith.constant 0 : i32
      %dma_wait3A_213 = tpu.memref_slice %arg13[%run_scoped3A_38, %dma_wait3A_211, %dma_wait3A_212] : memref<3x80x128xf32, #tpu.memory_space<vmem>> -> memref<1x80x128xf32, #tpu.memory_space<vmem>>
      %dma_wait3A_214 = tpu.memref_squeeze %dma_wait3A_213 : memref<1x80x128xf32, #tpu.memory_space<vmem>> -> memref<80x128xf32, #tpu.memory_space<vmem>>
      %dma_wait3A_215 = arith.constant 0 : i32
      %dma_wait3A_216 = tpu.memref_slice %arg14[%add3A_37, %dma_wait3A_215] : memref<10000x128xf32, #tpu.memory_space<vmem_shared>> -> memref<80x128xf32, #tpu.memory_space<vmem_shared>>
      %dma_wait3A_217 = arith.constant 0 : i32
      %dma_wait3A_218 = tpu.memref_slice %arg14[%add3A_37, %dma_wait3A_217] : memref<10000x128xf32, #tpu.memory_space<vmem_shared>> -> memref<80x128xf32, #tpu.memory_space<vmem_shared>>
      %dma_wait3A_219 = arith.constant 0 : i32
      %dma_wait3A_220 = arith.constant 0 : i32
      %dma_wait3A_221 = tpu.memref_slice %arg13[%run_scoped3A_38, %dma_wait3A_219, %dma_wait3A_220] : memref<3x80x128xf32, #tpu.memory_space<vmem>> -> memref<1x80x128xf32, #tpu.memory_space<vmem>>
      %dma_wait3A_222 = tpu.memref_squeeze %dma_wait3A_221 : memref<1x80x128xf32, #tpu.memory_space<vmem>> -> memref<80x128xf32, #tpu.memory_space<vmem>>
      tpu.wait_dma2 semaphore(%run_scoped3A_198 : memref<!tpu.dma_semaphore, #tpu.memory_space<semaphore_mem>>) src(%dma_wait3A_222 : memref<80x128xf32, #tpu.memory_space<vmem>>) dst(%dma_wait3A_218 : memref<80x128xf32, #tpu.memory_space<vmem_shared>>)
      tpu.yield
    }) : () -> ()
    %mul3A_39 = arith.constant 625 : i32
    %mul3A_40 = arith.muli %arg1, %mul3A_39 : i32
    %add3A_41 = arith.constant 560 : i32
    %add3A_42 = arith.addi %mul3A_40, %add3A_41 : i32
    %run_scoped3A_43 = arith.constant 0 : i32
    "tpu.region"() ({
      %run_scoped3A_198 = tpu.sem_alloc : memref<!tpu.dma_semaphore, #tpu.memory_space<semaphore_mem>>
      %dma_start3A_199 = arith.constant 0 : i32
      %dma_start3A_200 = arith.constant 0 : i32
      %dma_start3A_201 = tpu.memref_slice %arg13[%run_scoped3A_43, %dma_start3A_199, %dma_start3A_200] : memref<3x80x128xf32, #tpu.memory_space<vmem>> -> memref<1x65x128xf32, #tpu.memory_space<vmem>>
      %dma_start3A_202 = tpu.memref_squeeze %dma_start3A_201 : memref<1x65x128xf32, #tpu.memory_space<vmem>> -> memref<65x128xf32, #tpu.memory_space<vmem>>
      %dma_start3A_203 = arith.constant 0 : i32
      %dma_start3A_204 = tpu.memref_slice %arg14[%add3A_42, %dma_start3A_203] : memref<10000x128xf32, #tpu.memory_space<vmem_shared>> -> memref<65x128xf32, #tpu.memory_space<vmem_shared>>
      %dma_start3A_205 = arith.constant 0 : i32
      %dma_start3A_206 = tpu.memref_slice %arg14[%add3A_42, %dma_start3A_205] : memref<10000x128xf32, #tpu.memory_space<vmem_shared>> -> memref<65x128xf32, #tpu.memory_space<vmem_shared>>
      %dma_start3A_207 = arith.constant 0 : i32
      %dma_start3A_208 = arith.constant 0 : i32
      %dma_start3A_209 = tpu.memref_slice %arg13[%run_scoped3A_43, %dma_start3A_207, %dma_start3A_208] : memref<3x80x128xf32, #tpu.memory_space<vmem>> -> memref<1x65x128xf32, #tpu.memory_space<vmem>>
      %dma_start3A_210 = tpu.memref_squeeze %dma_start3A_209 : memref<1x65x128xf32, #tpu.memory_space<vmem>> -> memref<65x128xf32, #tpu.memory_space<vmem>>
      tpu.enqueue_dma source(%dma_start3A_210 : memref<65x128xf32, #tpu.memory_space<vmem>>) target(%dma_start3A_206 : memref<65x128xf32, #tpu.memory_space<vmem_shared>>) target_semaphore(%run_scoped3A_198 : memref<!tpu.dma_semaphore, #tpu.memory_space<semaphore_mem>>)
      %dma_wait3A_211 = arith.constant 0 : i32
      %dma_wait3A_212 = arith.constant 0 : i32
      %dma_wait3A_213 = tpu.memref_slice %arg13[%run_scoped3A_43, %dma_wait3A_211, %dma_wait3A_212] : memref<3x80x128xf32, #tpu.memory_space<vmem>> -> memref<1x65x128xf32, #tpu.memory_space<vmem>>
      %dma_wait3A_214 = tpu.memref_squeeze %dma_wait3A_213 : memref<1x65x128xf32, #tpu.memory_space<vmem>> -> memref<65x128xf32, #tpu.memory_space<vmem>>
      %dma_wait3A_215 = arith.constant 0 : i32
      %dma_wait3A_216 = tpu.memref_slice %arg14[%add3A_42, %dma_wait3A_215] : memref<10000x128xf32, #tpu.memory_space<vmem_shared>> -> memref<65x128xf32, #tpu.memory_space<vmem_shared>>
      %dma_wait3A_217 = arith.constant 0 : i32
      %dma_wait3A_218 = tpu.memref_slice %arg14[%add3A_42, %dma_wait3A_217] : memref<10000x128xf32, #tpu.memory_space<vmem_shared>> -> memref<65x128xf32, #tpu.memory_space<vmem_shared>>
      %dma_wait3A_219 = arith.constant 0 : i32
      %dma_wait3A_220 = arith.constant 0 : i32
      %dma_wait3A_221 = tpu.memref_slice %arg13[%run_scoped3A_43, %dma_wait3A_219, %dma_wait3A_220] : memref<3x80x128xf32, #tpu.memory_space<vmem>> -> memref<1x65x128xf32, #tpu.memory_space<vmem>>
      %dma_wait3A_222 = tpu.memref_squeeze %dma_wait3A_221 : memref<1x65x128xf32, #tpu.memory_space<vmem>> -> memref<65x128xf32, #tpu.memory_space<vmem>>
      tpu.wait_dma2 semaphore(%run_scoped3A_198 : memref<!tpu.dma_semaphore, #tpu.memory_space<semaphore_mem>>) src(%dma_wait3A_222 : memref<65x128xf32, #tpu.memory_space<vmem>>) dst(%dma_wait3A_218 : memref<65x128xf32, #tpu.memory_space<vmem_shared>>)
      tpu.yield
    }) : () -> ()
    %barrier3A = arith.constant 0 : index
    tpu.barrier barrier_id(%barrier3A)
    %broadcast_in_dim3A_44 = arith.constant 0 : i32
    %broadcast_in_dim3A_45 = vector.broadcast %broadcast_in_dim3A_44 : i32 to vector<16xi32>
    %add3A_46 = arith.constant 0 : i32
    %add3A_47 = arith.addi %mul3A_0, %add3A_46 : i32
    %rem3A = arith.constant 0 : i32
    %rem3A_48 = arith.constant 3 : i32
    %rem3A_49 = arith.remsi %rem3A, %rem3A_48 : i32
    %dma_start3A = arith.constant 0 : i32
    %dma_start3A_50 = tpu.memref_slice %arg9[%rem3A_49, %dma_start3A] : memref<3x80xi32, #tpu.memory_space<vmem>> -> memref<1x80xi32, #tpu.memory_space<vmem>>
    %dma_start3A_51 = tpu.memref_squeeze %dma_start3A_50 : memref<1x80xi32, #tpu.memory_space<vmem>> -> memref<80xi32, #tpu.memory_space<vmem>>
    %dma_start3A_52 = tpu.memref_slice %arg4[%add3A_47] : memref<160000xi32, #tpu.memory_space<hbm>> -> memref<80xi32, #tpu.memory_space<hbm>>
    %dma_start3A_53 = arith.constant 0 : i32
    %dma_start3A_54 = tpu.memref_slice %arg9[%rem3A_49, %dma_start3A_53] : memref<3x80xi32, #tpu.memory_space<vmem>> -> memref<1x80xi32, #tpu.memory_space<vmem>>
    %dma_start3A_55 = tpu.memref_squeeze %dma_start3A_54 : memref<1x80xi32, #tpu.memory_space<vmem>> -> memref<80xi32, #tpu.memory_space<vmem>>
    %dma_start3A_56 = tpu.memref_slice %arg4[%add3A_47] : memref<160000xi32, #tpu.memory_space<hbm>> -> memref<80xi32, #tpu.memory_space<hbm>>
    tpu.enqueue_dma source(%dma_start3A_56 : memref<80xi32, #tpu.memory_space<hbm>>) target(%dma_start3A_55 : memref<80xi32, #tpu.memory_space<vmem>>) target_semaphore(%arg17 : memref<!tpu.dma_semaphore, #tpu.memory_space<semaphore_mem>>)
    %add3A_57 = arith.constant 80 : i32
    %add3A_58 = arith.addi %mul3A_0, %add3A_57 : i32
    %rem3A_59 = arith.constant 1 : i32
    %rem3A_60 = arith.constant 3 : i32
    %rem3A_61 = arith.remsi %rem3A_59, %rem3A_60 : i32
    %dma_start3A_62 = arith.constant 0 : i32
    %dma_start3A_63 = tpu.memref_slice %arg9[%rem3A_61, %dma_start3A_62] : memref<3x80xi32, #tpu.memory_space<vmem>> -> memref<1x80xi32, #tpu.memory_space<vmem>>
    %dma_start3A_64 = tpu.memref_squeeze %dma_start3A_63 : memref<1x80xi32, #tpu.memory_space<vmem>> -> memref<80xi32, #tpu.memory_space<vmem>>
    %dma_start3A_65 = tpu.memref_slice %arg4[%add3A_58] : memref<160000xi32, #tpu.memory_space<hbm>> -> memref<80xi32, #tpu.memory_space<hbm>>
    %dma_start3A_66 = arith.constant 0 : i32
    %dma_start3A_67 = tpu.memref_slice %arg9[%rem3A_61, %dma_start3A_66] : memref<3x80xi32, #tpu.memory_space<vmem>> -> memref<1x80xi32, #tpu.memory_space<vmem>>
    %dma_start3A_68 = tpu.memref_squeeze %dma_start3A_67 : memref<1x80xi32, #tpu.memory_space<vmem>> -> memref<80xi32, #tpu.memory_space<vmem>>
    %dma_start3A_69 = tpu.memref_slice %arg4[%add3A_58] : memref<160000xi32, #tpu.memory_space<hbm>> -> memref<80xi32, #tpu.memory_space<hbm>>
    tpu.enqueue_dma source(%dma_start3A_69 : memref<80xi32, #tpu.memory_space<hbm>>) target(%dma_start3A_68 : memref<80xi32, #tpu.memory_space<vmem>>) target_semaphore(%arg17 : memref<!tpu.dma_semaphore, #tpu.memory_space<semaphore_mem>>)
    %add3A_70 = arith.constant 0 : i32
    %add3A_71 = arith.addi %mul3A_0, %add3A_70 : i32
    %rem3A_72 = arith.constant 0 : i32
    %rem3A_73 = arith.constant 3 : i32
    %rem3A_74 = arith.remsi %rem3A_72, %rem3A_73 : i32
    %dma_start3A_75 = arith.constant 0 : i32
    %dma_start3A_76 = tpu.memref_slice %arg10[%rem3A_74, %dma_start3A_75] : memref<3x80xi32, #tpu.memory_space<vmem>> -> memref<1x80xi32, #tpu.memory_space<vmem>>
    %dma_start3A_77 = tpu.memref_squeeze %dma_start3A_76 : memref<1x80xi32, #tpu.memory_space<vmem>> -> memref<80xi32, #tpu.memory_space<vmem>>
    %dma_start3A_78 = tpu.memref_slice %arg3[%add3A_71] : memref<160000xi32, #tpu.memory_space<hbm>> -> memref<80xi32, #tpu.memory_space<hbm>>
    %dma_start3A_79 = arith.constant 0 : i32
    %dma_start3A_80 = tpu.memref_slice %arg10[%rem3A_74, %dma_start3A_79] : memref<3x80xi32, #tpu.memory_space<vmem>> -> memref<1x80xi32, #tpu.memory_space<vmem>>
    %dma_start3A_81 = tpu.memref_squeeze %dma_start3A_80 : memref<1x80xi32, #tpu.memory_space<vmem>> -> memref<80xi32, #tpu.memory_space<vmem>>
    %dma_start3A_82 = tpu.memref_slice %arg3[%add3A_71] : memref<160000xi32, #tpu.memory_space<hbm>> -> memref<80xi32, #tpu.memory_space<hbm>>
    tpu.enqueue_dma source(%dma_start3A_82 : memref<80xi32, #tpu.memory_space<hbm>>) target(%dma_start3A_81 : memref<80xi32, #tpu.memory_space<vmem>>) target_semaphore(%arg16 : memref<!tpu.dma_semaphore, #tpu.memory_space<semaphore_mem>>)
    %add3A_83 = arith.constant 80 : i32
    %add3A_84 = arith.addi %mul3A_0, %add3A_83 : i32
    %rem3A_85 = arith.constant 1 : i32
    %rem3A_86 = arith.constant 3 : i32
    %rem3A_87 = arith.remsi %rem3A_85, %rem3A_86 : i32
    %dma_start3A_88 = arith.constant 0 : i32
    %dma_start3A_89 = tpu.memref_slice %arg10[%rem3A_87, %dma_start3A_88] : memref<3x80xi32, #tpu.memory_space<vmem>> -> memref<1x80xi32, #tpu.memory_space<vmem>>
    %dma_start3A_90 = tpu.memref_squeeze %dma_start3A_89 : memref<1x80xi32, #tpu.memory_space<vmem>> -> memref<80xi32, #tpu.memory_space<vmem>>
    %dma_start3A_91 = tpu.memref_slice %arg3[%add3A_84] : memref<160000xi32, #tpu.memory_space<hbm>> -> memref<80xi32, #tpu.memory_space<hbm>>
    %dma_start3A_92 = arith.constant 0 : i32
    %dma_start3A_93 = tpu.memref_slice %arg10[%rem3A_87, %dma_start3A_92] : memref<3x80xi32, #tpu.memory_space<vmem>> -> memref<1x80xi32, #tpu.memory_space<vmem>>
    %dma_start3A_94 = tpu.memref_squeeze %dma_start3A_93 : memref<1x80xi32, #tpu.memory_space<vmem>> -> memref<80xi32, #tpu.memory_space<vmem>>
    %dma_start3A_95 = tpu.memref_slice %arg3[%add3A_84] : memref<160000xi32, #tpu.memory_space<hbm>> -> memref<80xi32, #tpu.memory_space<hbm>>
    tpu.enqueue_dma source(%dma_start3A_95 : memref<80xi32, #tpu.memory_space<hbm>>) target(%dma_start3A_94 : memref<80xi32, #tpu.memory_space<vmem>>) target_semaphore(%arg16 : memref<!tpu.dma_semaphore, #tpu.memory_space<semaphore_mem>>)
    %add3A_96 = arith.constant 0 : i32
    %add3A_97 = arith.addi %mul3A_0, %add3A_96 : i32
    %rem3A_98 = arith.constant 0 : i32
    %rem3A_99 = arith.constant 3 : i32
    %rem3A_100 = arith.remsi %rem3A_98, %rem3A_99 : i32
    %dma_start3A_101 = arith.constant 0 : i32
    %dma_start3A_102 = tpu.memref_slice %arg11[%rem3A_100, %dma_start3A_101] : memref<3x80xi32, #tpu.memory_space<vmem>> -> memref<1x80xi32, #tpu.memory_space<vmem>>
    %dma_start3A_103 = tpu.memref_squeeze %dma_start3A_102 : memref<1x80xi32, #tpu.memory_space<vmem>> -> memref<80xi32, #tpu.memory_space<vmem>>
    %dma_start3A_104 = tpu.memref_slice %arg5[%add3A_97] : memref<160000xi32, #tpu.memory_space<hbm>> -> memref<80xi32, #tpu.memory_space<hbm>>
    %dma_start3A_105 = arith.constant 0 : i32
    %dma_start3A_106 = tpu.memref_slice %arg11[%rem3A_100, %dma_start3A_105] : memref<3x80xi32, #tpu.memory_space<vmem>> -> memref<1x80xi32, #tpu.memory_space<vmem>>
    %dma_start3A_107 = tpu.memref_squeeze %dma_start3A_106 : memref<1x80xi32, #tpu.memory_space<vmem>> -> memref<80xi32, #tpu.memory_space<vmem>>
    %dma_start3A_108 = tpu.memref_slice %arg5[%add3A_97] : memref<160000xi32, #tpu.memory_space<hbm>> -> memref<80xi32, #tpu.memory_space<hbm>>
    tpu.enqueue_dma source(%dma_start3A_108 : memref<80xi32, #tpu.memory_space<hbm>>) target(%dma_start3A_107 : memref<80xi32, #tpu.memory_space<vmem>>) target_semaphore(%arg18 : memref<!tpu.dma_semaphore, #tpu.memory_space<semaphore_mem>>)
    %add3A_109 = arith.constant 80 : i32
    %add3A_110 = arith.addi %mul3A_0, %add3A_109 : i32
    %rem3A_111 = arith.constant 1 : i32
    %rem3A_112 = arith.constant 3 : i32
    %rem3A_113 = arith.remsi %rem3A_111, %rem3A_112 : i32
    %dma_start3A_114 = arith.constant 0 : i32
    %dma_start3A_115 = tpu.memref_slice %arg11[%rem3A_113, %dma_start3A_114] : memref<3x80xi32, #tpu.memory_space<vmem>> -> memref<1x80xi32, #tpu.memory_space<vmem>>
    %dma_start3A_116 = tpu.memref_squeeze %dma_start3A_115 : memref<1x80xi32, #tpu.memory_space<vmem>> -> memref<80xi32, #tpu.memory_space<vmem>>
    %dma_start3A_117 = tpu.memref_slice %arg5[%add3A_110] : memref<160000xi32, #tpu.memory_space<hbm>> -> memref<80xi32, #tpu.memory_space<hbm>>
    %dma_start3A_118 = arith.constant 0 : i32
    %dma_start3A_119 = tpu.memref_slice %arg11[%rem3A_113, %dma_start3A_118] : memref<3x80xi32, #tpu.memory_space<vmem>> -> memref<1x80xi32, #tpu.memory_space<vmem>>
    %dma_start3A_120 = tpu.memref_squeeze %dma_start3A_119 : memref<1x80xi32, #tpu.memory_space<vmem>> -> memref<80xi32, #tpu.memory_space<vmem>>
    %dma_start3A_121 = tpu.memref_slice %arg5[%add3A_110] : memref<160000xi32, #tpu.memory_space<hbm>> -> memref<80xi32, #tpu.memory_space<hbm>>
    tpu.enqueue_dma source(%dma_start3A_121 : memref<80xi32, #tpu.memory_space<hbm>>) target(%dma_start3A_120 : memref<80xi32, #tpu.memory_space<vmem>>) target_semaphore(%arg18 : memref<!tpu.dma_semaphore, #tpu.memory_space<semaphore_mem>>)
    %add3A_122 = arith.constant 0 : i32
    %add3A_123 = arith.addi %mul3A_0, %add3A_122 : i32
    %rem3A_124 = arith.constant 0 : i32
    %rem3A_125 = arith.constant 3 : i32
    %rem3A_126 = arith.remsi %rem3A_124, %rem3A_125 : i32
    %dma_wait3A = arith.constant 0 : i32
    %dma_wait3A_127 = tpu.memref_slice %arg9[%rem3A_126, %dma_wait3A] : memref<3x80xi32, #tpu.memory_space<vmem>> -> memref<1x80xi32, #tpu.memory_space<vmem>>
    %dma_wait3A_128 = tpu.memref_squeeze %dma_wait3A_127 : memref<1x80xi32, #tpu.memory_space<vmem>> -> memref<80xi32, #tpu.memory_space<vmem>>
    %dma_wait3A_129 = tpu.memref_slice %arg4[%add3A_123] : memref<160000xi32, #tpu.memory_space<hbm>> -> memref<80xi32, #tpu.memory_space<hbm>>
    %dma_wait3A_130 = arith.constant 0 : i32
    %dma_wait3A_131 = tpu.memref_slice %arg9[%rem3A_126, %dma_wait3A_130] : memref<3x80xi32, #tpu.memory_space<vmem>> -> memref<1x80xi32, #tpu.memory_space<vmem>>
    %dma_wait3A_132 = tpu.memref_squeeze %dma_wait3A_131 : memref<1x80xi32, #tpu.memory_space<vmem>> -> memref<80xi32, #tpu.memory_space<vmem>>
    %dma_wait3A_133 = tpu.memref_slice %arg4[%add3A_123] : memref<160000xi32, #tpu.memory_space<hbm>> -> memref<80xi32, #tpu.memory_space<hbm>>
    tpu.wait_dma2 semaphore(%arg17 : memref<!tpu.dma_semaphore, #tpu.memory_space<semaphore_mem>>) src(%dma_wait3A_133 : memref<80xi32, #tpu.memory_space<hbm>>) dst(%dma_wait3A_132 : memref<80xi32, #tpu.memory_space<vmem>>)
    %rem3A_134 = arith.constant 0 : i32
    %rem3A_135 = arith.constant 3 : i32
    %rem3A_136 = arith.remsi %rem3A_134, %rem3A_135 : i32
    %rem3A_137 = arith.constant 0 : i32
    %rem3A_138 = arith.constant 3 : i32
    %rem3A_139 = arith.remsi %rem3A_137, %rem3A_138 : i32
    %dma_start3A_140 = arith.constant 0 : i32
    %dma_start3A_141 = arith.constant 0 : i32
    %dma_start3A_142 = tpu.memref_slice %arg13[%rem3A_139, %dma_start3A_140, %dma_start3A_141] : memref<3x80x128xf32, #tpu.memory_space<vmem>> -> memref<1x80x128xf32, #tpu.memory_space<vmem>>
    %dma_start3A_143 = tpu.memref_squeeze %dma_start3A_142 : memref<1x80x128xf32, #tpu.memory_space<vmem>> -> memref<80x128xf32, #tpu.memory_space<vmem>>
    %dma_start3A_144 = arith.constant 0 : i32
    %dma_start3A_145 = tpu.memref_slice %arg9[%rem3A_136, %dma_start3A_144] : memref<3x80xi32, #tpu.memory_space<vmem>> -> memref<1x80xi32, #tpu.memory_space<vmem>>
    %dma_start3A_146 = tpu.memref_squeeze %dma_start3A_145 : memref<1x80xi32, #tpu.memory_space<vmem>> -> memref<80xi32, #tpu.memory_space<vmem>>
    %dma_start3A_147 = arith.constant 0 : i32
    %dma_start3A_148 = arith.constant 0 : i32
    %dma_start3A_149 = tpu.memref_slice %arg2[%arg0, %dma_start3A_147, %dma_start3A_148] : memref<2x4000x128xf32, #tpu.memory_space<hbm>> -> memref<1x4000x128xf32, #tpu.memory_space<hbm>>
    %dma_start3A_150 = tpu.memref_squeeze %dma_start3A_149 : memref<1x4000x128xf32, #tpu.memory_space<hbm>> -> memref<4000x128xf32, #tpu.memory_space<hbm>>
    %dma_start3A_151 = arith.constant 0 : i32
    %dma_start3A_152 = arith.constant 0 : i32
    %dma_start3A_153 = tpu.memref_slice %dma_start3A_150[%dma_start3A_151, %dma_start3A_152] : memref<4000x128xf32, #tpu.memory_space<hbm>> -> memref<4000x128xf32, #tpu.memory_space<hbm>>
    tpu.enqueue_indirect_dma source(%dma_start3A_153 : memref<4000x128xf32, #tpu.memory_space<hbm>>) target(%dma_start3A_143 : memref<80x128xf32, #tpu.memory_space<vmem>>) offsets(%dma_start3A_146 : memref<80xi32, #tpu.memory_space<vmem>>) semaphore(%arg15 : memref<!tpu.dma_semaphore, #tpu.memory_space<semaphore_mem>>)
    %scan3A_154 = arith.constant 0 : i32
    %scan3A_155 = arith.constant 125 : i32
    %scan3A_156 = arith.addi %scan3A_154, %scan3A_155 : i32
    %scan3A_157 = arith.constant 1 : i32
    scf.for %scan3A_198 = %scan3A_154 to %scan3A_156 step %scan3A_157  : i32 {
      %mul3A_199 = arith.constant 1 : i32
      %mul3A_200 = arith.muli %scan3A_198, %mul3A_199 : i32
      %add3A_201 = arith.constant 0 : i32
      %add3A_202 = arith.addi %add3A_201, %mul3A_200 : i32
      %ge3A = arith.constant 2 : i32
      %ge3A_203 = arith.cmpi sge, %add3A_202, %ge3A : i32
      %convert_element_type3A_204 = arith.extui %ge3A_203 : i1 to i32
      %cond3A_205 = arith.constant 0 : i32
      %cond3A_206 = arith.cmpi ne, %convert_element_type3A_204, %cond3A_205 : i32
      scf.if %cond3A_206 {
        %sub3A = arith.constant 2 : i32
        %sub3A_311 = arith.subi %add3A_202, %sub3A : i32
        %rem3A_312 = arith.constant 3 : i32
        %rem3A_313 = arith.remsi %sub3A_311, %rem3A_312 : i32
        %rem3A_314 = arith.constant 3 : i32
        %rem3A_315 = arith.remsi %sub3A_311, %rem3A_314 : i32
        %dma_wait3A_316 = arith.constant 0 : i32
        %dma_wait3A_317 = arith.constant 0 : i32
        %dma_wait3A_318 = tpu.memref_slice %arg13[%rem3A_313, %dma_wait3A_316, %dma_wait3A_317] : memref<3x80x128xf32, #tpu.memory_space<vmem>> -> memref<1x80x128xf32, #tpu.memory_space<vmem>>
        %dma_wait3A_319 = tpu.memref_squeeze %dma_wait3A_318 : memref<1x80x128xf32, #tpu.memory_space<vmem>> -> memref<80x128xf32, #tpu.memory_space<vmem>>
        %dma_wait3A_320 = arith.constant 0 : i32
        %dma_wait3A_321 = tpu.memref_slice %arg11[%rem3A_315, %dma_wait3A_320] : memref<3x80xi32, #tpu.memory_space<vmem>> -> memref<1x80xi32, #tpu.memory_space<vmem>>
        %dma_wait3A_322 = tpu.memref_squeeze %dma_wait3A_321 : memref<1x80xi32, #tpu.memory_space<vmem>> -> memref<80xi32, #tpu.memory_space<vmem>>
        %dma_wait3A_323 = arith.constant 0 : i32
        %dma_wait3A_324 = arith.constant 0 : i32
        %dma_wait3A_325 = tpu.memref_slice %arg14[%dma_wait3A_323, %dma_wait3A_324] : memref<10000x128xf32, #tpu.memory_space<vmem_shared>> -> memref<10000x128xf32, #tpu.memory_space<vmem_shared>>
        tpu.wait_indirect_dma semaphore(%arg19 : memref<!tpu.dma_semaphore, #tpu.memory_space<semaphore_mem>>) src(%dma_wait3A_319 : memref<80x128xf32, #tpu.memory_space<vmem>>) dst(%dma_wait3A_325 : memref<10000x128xf32, #tpu.memory_space<vmem_shared>>)
      } else {
      }
      %add3A_207 = arith.constant 1 : i32
      %add3A_208 = arith.addi %add3A_202, %add3A_207 : i32
      %lt3A_209 = arith.constant 125 : i32
      %lt3A_210 = arith.cmpi slt, %add3A_208, %lt3A_209 : i32
      %convert_element_type3A_211 = arith.extui %lt3A_210 : i1 to i32
      %cond3A_212 = arith.constant 0 : i32
      %cond3A_213 = arith.cmpi ne, %convert_element_type3A_211, %cond3A_212 : i32
      scf.if %cond3A_213 {
        %add3A_311 = arith.constant 1 : i32
        %add3A_312 = arith.addi %add3A_202, %add3A_311 : i32
        %mul3A_313 = arith.constant 80 : i32
        %mul3A_314 = arith.muli %add3A_312, %mul3A_313 : i32
        %add3A_315 = arith.addi %mul3A_0, %mul3A_314 : i32
        %rem3A_316 = arith.constant 3 : i32
        %rem3A_317 = arith.remsi %add3A_312, %rem3A_316 : i32
        %dma_wait3A_318 = arith.constant 0 : i32
        %dma_wait3A_319 = tpu.memref_slice %arg9[%rem3A_317, %dma_wait3A_318] : memref<3x80xi32, #tpu.memory_space<vmem>> -> memref<1x80xi32, #tpu.memory_space<vmem>>
        %dma_wait3A_320 = tpu.memref_squeeze %dma_wait3A_319 : memref<1x80xi32, #tpu.memory_space<vmem>> -> memref<80xi32, #tpu.memory_space<vmem>>
        %dma_wait3A_321 = tpu.memref_slice %arg4[%add3A_315] : memref<160000xi32, #tpu.memory_space<hbm>> -> memref<80xi32, #tpu.memory_space<hbm>>
        %dma_wait3A_322 = arith.constant 0 : i32
        %dma_wait3A_323 = tpu.memref_slice %arg9[%rem3A_317, %dma_wait3A_322] : memref<3x80xi32, #tpu.memory_space<vmem>> -> memref<1x80xi32, #tpu.memory_space<vmem>>
        %dma_wait3A_324 = tpu.memref_squeeze %dma_wait3A_323 : memref<1x80xi32, #tpu.memory_space<vmem>> -> memref<80xi32, #tpu.memory_space<vmem>>
        %dma_wait3A_325 = tpu.memref_slice %arg4[%add3A_315] : memref<160000xi32, #tpu.memory_space<hbm>> -> memref<80xi32, #tpu.memory_space<hbm>>
        tpu.wait_dma2 semaphore(%arg17 : memref<!tpu.dma_semaphore, #tpu.memory_space<semaphore_mem>>) src(%dma_wait3A_325 : memref<80xi32, #tpu.memory_space<hbm>>) dst(%dma_wait3A_324 : memref<80xi32, #tpu.memory_space<vmem>>)
        %add3A_326 = arith.constant 1 : i32
        %add3A_327 = arith.addi %add3A_202, %add3A_326 : i32
        %rem3A_328 = arith.constant 3 : i32
        %rem3A_329 = arith.remsi %add3A_327, %rem3A_328 : i32
        %rem3A_330 = arith.constant 3 : i32
        %rem3A_331 = arith.remsi %add3A_327, %rem3A_330 : i32
        %dma_start3A_332 = arith.constant 0 : i32
        %dma_start3A_333 = arith.constant 0 : i32
        %dma_start3A_334 = tpu.memref_slice %arg13[%rem3A_331, %dma_start3A_332, %dma_start3A_333] : memref<3x80x128xf32, #tpu.memory_space<vmem>> -> memref<1x80x128xf32, #tpu.memory_space<vmem>>
        %dma_start3A_335 = tpu.memref_squeeze %dma_start3A_334 : memref<1x80x128xf32, #tpu.memory_space<vmem>> -> memref<80x128xf32, #tpu.memory_space<vmem>>
        %dma_start3A_336 = arith.constant 0 : i32
        %dma_start3A_337 = tpu.memref_slice %arg9[%rem3A_329, %dma_start3A_336] : memref<3x80xi32, #tpu.memory_space<vmem>> -> memref<1x80xi32, #tpu.memory_space<vmem>>
        %dma_start3A_338 = tpu.memref_squeeze %dma_start3A_337 : memref<1x80xi32, #tpu.memory_space<vmem>> -> memref<80xi32, #tpu.memory_space<vmem>>
        %dma_start3A_339 = arith.constant 0 : i32
        %dma_start3A_340 = arith.constant 0 : i32
        %dma_start3A_341 = tpu.memref_slice %arg2[%arg0, %dma_start3A_339, %dma_start3A_340] : memref<2x4000x128xf32, #tpu.memory_space<hbm>> -> memref<1x4000x128xf32, #tpu.memory_space<hbm>>
        %dma_start3A_342 = tpu.memref_squeeze %dma_start3A_341 : memref<1x4000x128xf32, #tpu.memory_space<hbm>> -> memref<4000x128xf32, #tpu.memory_space<hbm>>
        %dma_start3A_343 = arith.constant 0 : i32
        %dma_start3A_344 = arith.constant 0 : i32
        %dma_start3A_345 = tpu.memref_slice %dma_start3A_342[%dma_start3A_343, %dma_start3A_344] : memref<4000x128xf32, #tpu.memory_space<hbm>> -> memref<4000x128xf32, #tpu.memory_space<hbm>>
        tpu.enqueue_indirect_dma source(%dma_start3A_345 : memref<4000x128xf32, #tpu.memory_space<hbm>>) target(%dma_start3A_335 : memref<80x128xf32, #tpu.memory_space<vmem>>) offsets(%dma_start3A_338 : memref<80xi32, #tpu.memory_space<vmem>>) semaphore(%arg15 : memref<!tpu.dma_semaphore, #tpu.memory_space<semaphore_mem>>)
      } else {
      }
      %add3A_214 = arith.constant 2 : i32
      %add3A_215 = arith.addi %add3A_202, %add3A_214 : i32
      %lt3A_216 = arith.constant 125 : i32
      %lt3A_217 = arith.cmpi slt, %add3A_215, %lt3A_216 : i32
      %convert_element_type3A_218 = arith.extui %lt3A_217 : i1 to i32
      %cond3A_219 = arith.constant 0 : i32
      %cond3A_220 = arith.cmpi ne, %convert_element_type3A_218, %cond3A_219 : i32
      scf.if %cond3A_220 {
        %add3A_311 = arith.constant 2 : i32
        %add3A_312 = arith.addi %add3A_202, %add3A_311 : i32
        %mul3A_313 = arith.constant 80 : i32
        %mul3A_314 = arith.muli %add3A_312, %mul3A_313 : i32
        %add3A_315 = arith.addi %mul3A_0, %mul3A_314 : i32
        %rem3A_316 = arith.constant 3 : i32
        %rem3A_317 = arith.remsi %add3A_312, %rem3A_316 : i32
        %dma_start3A_318 = arith.constant 0 : i32
        %dma_start3A_319 = tpu.memref_slice %arg9[%rem3A_317, %dma_start3A_318] : memref<3x80xi32, #tpu.memory_space<vmem>> -> memref<1x80xi32, #tpu.memory_space<vmem>>
        %dma_start3A_320 = tpu.memref_squeeze %dma_start3A_319 : memref<1x80xi32, #tpu.memory_space<vmem>> -> memref<80xi32, #tpu.memory_space<vmem>>
        %dma_start3A_321 = tpu.memref_slice %arg4[%add3A_315] : memref<160000xi32, #tpu.memory_space<hbm>> -> memref<80xi32, #tpu.memory_space<hbm>>
        %dma_start3A_322 = arith.constant 0 : i32
        %dma_start3A_323 = tpu.memref_slice %arg9[%rem3A_317, %dma_start3A_322] : memref<3x80xi32, #tpu.memory_space<vmem>> -> memref<1x80xi32, #tpu.memory_space<vmem>>
        %dma_start3A_324 = tpu.memref_squeeze %dma_start3A_323 : memref<1x80xi32, #tpu.memory_space<vmem>> -> memref<80xi32, #tpu.memory_space<vmem>>
        %dma_start3A_325 = tpu.memref_slice %arg4[%add3A_315] : memref<160000xi32, #tpu.memory_space<hbm>> -> memref<80xi32, #tpu.memory_space<hbm>>
        tpu.enqueue_dma source(%dma_start3A_325 : memref<80xi32, #tpu.memory_space<hbm>>) target(%dma_start3A_324 : memref<80xi32, #tpu.memory_space<vmem>>) target_semaphore(%arg17 : memref<!tpu.dma_semaphore, #tpu.memory_space<semaphore_mem>>)
        %add3A_326 = arith.constant 2 : i32
        %add3A_327 = arith.addi %add3A_202, %add3A_326 : i32
        %mul3A_328 = arith.constant 80 : i32
        %mul3A_329 = arith.muli %add3A_327, %mul3A_328 : i32
        %add3A_330 = arith.addi %mul3A_0, %mul3A_329 : i32
        %rem3A_331 = arith.constant 3 : i32
        %rem3A_332 = arith.remsi %add3A_327, %rem3A_331 : i32
        %dma_start3A_333 = arith.constant 0 : i32
        %dma_start3A_334 = tpu.memref_slice %arg10[%rem3A_332, %dma_start3A_333] : memref<3x80xi32, #tpu.memory_space<vmem>> -> memref<1x80xi32, #tpu.memory_space<vmem>>
        %dma_start3A_335 = tpu.memref_squeeze %dma_start3A_334 : memref<1x80xi32, #tpu.memory_space<vmem>> -> memref<80xi32, #tpu.memory_space<vmem>>
        %dma_start3A_336 = tpu.memref_slice %arg3[%add3A_330] : memref<160000xi32, #tpu.memory_space<hbm>> -> memref<80xi32, #tpu.memory_space<hbm>>
        %dma_start3A_337 = arith.constant 0 : i32
        %dma_start3A_338 = tpu.memref_slice %arg10[%rem3A_332, %dma_start3A_337] : memref<3x80xi32, #tpu.memory_space<vmem>> -> memref<1x80xi32, #tpu.memory_space<vmem>>
        %dma_start3A_339 = tpu.memref_squeeze %dma_start3A_338 : memref<1x80xi32, #tpu.memory_space<vmem>> -> memref<80xi32, #tpu.memory_space<vmem>>
        %dma_start3A_340 = tpu.memref_slice %arg3[%add3A_330] : memref<160000xi32, #tpu.memory_space<hbm>> -> memref<80xi32, #tpu.memory_space<hbm>>
        tpu.enqueue_dma source(%dma_start3A_340 : memref<80xi32, #tpu.memory_space<hbm>>) target(%dma_start3A_339 : memref<80xi32, #tpu.memory_space<vmem>>) target_semaphore(%arg16 : memref<!tpu.dma_semaphore, #tpu.memory_space<semaphore_mem>>)
        %add3A_341 = arith.constant 2 : i32
        %add3A_342 = arith.addi %add3A_202, %add3A_341 : i32
        %mul3A_343 = arith.constant 80 : i32
        %mul3A_344 = arith.muli %add3A_342, %mul3A_343 : i32
        %add3A_345 = arith.addi %mul3A_0, %mul3A_344 : i32
        %rem3A_346 = arith.constant 3 : i32
        %rem3A_347 = arith.remsi %add3A_342, %rem3A_346 : i32
        %dma_start3A_348 = arith.constant 0 : i32
        %dma_start3A_349 = tpu.memref_slice %arg11[%rem3A_347, %dma_start3A_348] : memref<3x80xi32, #tpu.memory_space<vmem>> -> memref<1x80xi32, #tpu.memory_space<vmem>>
        %dma_start3A_350 = tpu.memref_squeeze %dma_start3A_349 : memref<1x80xi32, #tpu.memory_space<vmem>> -> memref<80xi32, #tpu.memory_space<vmem>>
        %dma_start3A_351 = tpu.memref_slice %arg5[%add3A_345] : memref<160000xi32, #tpu.memory_space<hbm>> -> memref<80xi32, #tpu.memory_space<hbm>>
        %dma_start3A_352 = arith.constant 0 : i32
        %dma_start3A_353 = tpu.memref_slice %arg11[%rem3A_347, %dma_start3A_352] : memref<3x80xi32, #tpu.memory_space<vmem>> -> memref<1x80xi32, #tpu.memory_space<vmem>>
        %dma_start3A_354 = tpu.memref_squeeze %dma_start3A_353 : memref<1x80xi32, #tpu.memory_space<vmem>> -> memref<80xi32, #tpu.memory_space<vmem>>
        %dma_start3A_355 = tpu.memref_slice %arg5[%add3A_345] : memref<160000xi32, #tpu.memory_space<hbm>> -> memref<80xi32, #tpu.memory_space<hbm>>
        tpu.enqueue_dma source(%dma_start3A_355 : memref<80xi32, #tpu.memory_space<hbm>>) target(%dma_start3A_354 : memref<80xi32, #tpu.memory_space<vmem>>) target_semaphore(%arg18 : memref<!tpu.dma_semaphore, #tpu.memory_space<semaphore_mem>>)
      } else {
      }
      %rem3A_221 = arith.constant 3 : i32
      %rem3A_222 = arith.remsi %add3A_202, %rem3A_221 : i32
      %rem3A_223 = arith.constant 3 : i32
      %rem3A_224 = arith.remsi %add3A_202, %rem3A_223 : i32
      %dma_wait3A_225 = arith.constant 0 : i32
      %dma_wait3A_226 = arith.constant 0 : i32
      %dma_wait3A_227 = tpu.memref_slice %arg13[%rem3A_224, %dma_wait3A_225, %dma_wait3A_226] : memref<3x80x128xf32, #tpu.memory_space<vmem>> -> memref<1x80x128xf32, #tpu.memory_space<vmem>>
      %dma_wait3A_228 = tpu.memref_squeeze %dma_wait3A_227 : memref<1x80x128xf32, #tpu.memory_space<vmem>> -> memref<80x128xf32, #tpu.memory_space<vmem>>
      %dma_wait3A_229 = arith.constant 0 : i32
      %dma_wait3A_230 = tpu.memref_slice %arg9[%rem3A_222, %dma_wait3A_229] : memref<3x80xi32, #tpu.memory_space<vmem>> -> memref<1x80xi32, #tpu.memory_space<vmem>>
      %dma_wait3A_231 = tpu.memref_squeeze %dma_wait3A_230 : memref<1x80xi32, #tpu.memory_space<vmem>> -> memref<80xi32, #tpu.memory_space<vmem>>
      %dma_wait3A_232 = arith.constant 0 : i32
      %dma_wait3A_233 = arith.constant 0 : i32
      %dma_wait3A_234 = tpu.memref_slice %arg2[%arg0, %dma_wait3A_232, %dma_wait3A_233] : memref<2x4000x128xf32, #tpu.memory_space<hbm>> -> memref<1x4000x128xf32, #tpu.memory_space<hbm>>
      %dma_wait3A_235 = tpu.memref_squeeze %dma_wait3A_234 : memref<1x4000x128xf32, #tpu.memory_space<hbm>> -> memref<4000x128xf32, #tpu.memory_space<hbm>>
      %dma_wait3A_236 = arith.constant 0 : i32
      %dma_wait3A_237 = arith.constant 0 : i32
      %dma_wait3A_238 = tpu.memref_slice %dma_wait3A_235[%dma_wait3A_236, %dma_wait3A_237] : memref<4000x128xf32, #tpu.memory_space<hbm>> -> memref<4000x128xf32, #tpu.memory_space<hbm>>
      tpu.wait_indirect_dma semaphore(%arg15 : memref<!tpu.dma_semaphore, #tpu.memory_space<semaphore_mem>>) src(%dma_wait3A_238 : memref<4000x128xf32, #tpu.memory_space<hbm>>) dst(%dma_wait3A_228 : memref<80x128xf32, #tpu.memory_space<vmem>>)
      %mul3A_239 = arith.constant 80 : i32
      %mul3A_240 = arith.muli %add3A_202, %mul3A_239 : i32
      %add3A_241 = arith.addi %mul3A_0, %mul3A_240 : i32
      %rem3A_242 = arith.constant 3 : i32
      %rem3A_243 = arith.remsi %add3A_202, %rem3A_242 : i32
      %dma_wait3A_244 = arith.constant 0 : i32
      %dma_wait3A_245 = tpu.memref_slice %arg10[%rem3A_243, %dma_wait3A_244] : memref<3x80xi32, #tpu.memory_space<vmem>> -> memref<1x80xi32, #tpu.memory_space<vmem>>
      %dma_wait3A_246 = tpu.memref_squeeze %dma_wait3A_245 : memref<1x80xi32, #tpu.memory_space<vmem>> -> memref<80xi32, #tpu.memory_space<vmem>>
      %dma_wait3A_247 = tpu.memref_slice %arg3[%add3A_241] : memref<160000xi32, #tpu.memory_space<hbm>> -> memref<80xi32, #tpu.memory_space<hbm>>
      %dma_wait3A_248 = arith.constant 0 : i32
      %dma_wait3A_249 = tpu.memref_slice %arg10[%rem3A_243, %dma_wait3A_248] : memref<3x80xi32, #tpu.memory_space<vmem>> -> memref<1x80xi32, #tpu.memory_space<vmem>>
      %dma_wait3A_250 = tpu.memref_squeeze %dma_wait3A_249 : memref<1x80xi32, #tpu.memory_space<vmem>> -> memref<80xi32, #tpu.memory_space<vmem>>
      %dma_wait3A_251 = tpu.memref_slice %arg3[%add3A_241] : memref<160000xi32, #tpu.memory_space<hbm>> -> memref<80xi32, #tpu.memory_space<hbm>>
      tpu.wait_dma2 semaphore(%arg16 : memref<!tpu.dma_semaphore, #tpu.memory_space<semaphore_mem>>) src(%dma_wait3A_251 : memref<80xi32, #tpu.memory_space<hbm>>) dst(%dma_wait3A_250 : memref<80xi32, #tpu.memory_space<vmem>>)
      %mul3A_252 = arith.constant 80 : i32
      %mul3A_253 = arith.muli %add3A_202, %mul3A_252 : i32
      %add3A_254 = arith.addi %mul3A_0, %mul3A_253 : i32
      %rem3A_255 = arith.constant 3 : i32
      %rem3A_256 = arith.remsi %add3A_202, %rem3A_255 : i32
      %dma_wait3A_257 = arith.constant 0 : i32
      %dma_wait3A_258 = tpu.memref_slice %arg11[%rem3A_256, %dma_wait3A_257] : memref<3x80xi32, #tpu.memory_space<vmem>> -> memref<1x80xi32, #tpu.memory_space<vmem>>
      %dma_wait3A_259 = tpu.memref_squeeze %dma_wait3A_258 : memref<1x80xi32, #tpu.memory_space<vmem>> -> memref<80xi32, #tpu.memory_space<vmem>>
      %dma_wait3A_260 = tpu.memref_slice %arg5[%add3A_254] : memref<160000xi32, #tpu.memory_space<hbm>> -> memref<80xi32, #tpu.memory_space<hbm>>
      %dma_wait3A_261 = arith.constant 0 : i32
      %dma_wait3A_262 = tpu.memref_slice %arg11[%rem3A_256, %dma_wait3A_261] : memref<3x80xi32, #tpu.memory_space<vmem>> -> memref<1x80xi32, #tpu.memory_space<vmem>>
      %dma_wait3A_263 = tpu.memref_squeeze %dma_wait3A_262 : memref<1x80xi32, #tpu.memory_space<vmem>> -> memref<80xi32, #tpu.memory_space<vmem>>
      %dma_wait3A_264 = tpu.memref_slice %arg5[%add3A_254] : memref<160000xi32, #tpu.memory_space<hbm>> -> memref<80xi32, #tpu.memory_space<hbm>>
      tpu.wait_dma2 semaphore(%arg18 : memref<!tpu.dma_semaphore, #tpu.memory_space<semaphore_mem>>) src(%dma_wait3A_264 : memref<80xi32, #tpu.memory_space<hbm>>) dst(%dma_wait3A_263 : memref<80xi32, #tpu.memory_space<vmem>>)
      %rem3A_265 = arith.constant 3 : i32
      %rem3A_266 = arith.remsi %add3A_202, %rem3A_265 : i32
      %get3A = arith.index_cast %rem3A_266 : i32 to index
      %get3A_267 = arith.constant 0 : index
      %get3A_268 = tpu.vector_load %arg10[%get3A, %get3A_267] {strides = array<i32>} : memref<3x80xi32, #tpu.memory_space<vmem>>, vector<16xi32>,
      %gather3A = tpu.vector_load_idx %arg8[%get3A_268] : memref<10000xf32, #tpu.memory_space<vmem>>[vector<16xi32>], vector<16xf32>,
      %swap3A = arith.index_cast %rem3A_266 : i32 to index
      %swap3A_269 = arith.constant 0 : index
      %swap3A_270 = tpu.vector_load %arg12[%swap3A, %swap3A_269] {strides = array<i32>} : memref<3x80xf32, #tpu.memory_space<vmem>>, vector<16xf32>,
      tpu.vector_store %arg12[%swap3A, %swap3A_269], %gather3A {strides = array<i32>} : memref<3x80xf32, #tpu.memory_space<vmem>>, vector<16xf32>,
      %get3A_271 = arith.index_cast %rem3A_266 : i32 to index
      %get3A_272 = arith.constant 16 : index
      %get3A_273 = tpu.vector_load %arg10[%get3A_271, %get3A_272] {strides = array<i32>} : memref<3x80xi32, #tpu.memory_space<vmem>>, vector<16xi32>,
      %gather3A_274 = tpu.vector_load_idx %arg8[%get3A_273] : memref<10000xf32, #tpu.memory_space<vmem>>[vector<16xi32>], vector<16xf32>,
      %swap3A_275 = arith.index_cast %rem3A_266 : i32 to index
      %swap3A_276 = arith.constant 16 : index
      %swap3A_277 = tpu.vector_load %arg12[%swap3A_275, %swap3A_276] {strides = array<i32>} : memref<3x80xf32, #tpu.memory_space<vmem>>, vector<16xf32>,
      tpu.vector_store %arg12[%swap3A_275, %swap3A_276], %gather3A_274 {strides = array<i32>} : memref<3x80xf32, #tpu.memory_space<vmem>>, vector<16xf32>,
      %get3A_278 = arith.index_cast %rem3A_266 : i32 to index
      %get3A_279 = arith.constant 32 : index
      %get3A_280 = tpu.vector_load %arg10[%get3A_278, %get3A_279] {strides = array<i32>} : memref<3x80xi32, #tpu.memory_space<vmem>>, vector<16xi32>,
      %gather3A_281 = tpu.vector_load_idx %arg8[%get3A_280] : memref<10000xf32, #tpu.memory_space<vmem>>[vector<16xi32>], vector<16xf32>,
      %swap3A_282 = arith.index_cast %rem3A_266 : i32 to index
      %swap3A_283 = arith.constant 32 : index
      %swap3A_284 = tpu.vector_load %arg12[%swap3A_282, %swap3A_283] {strides = array<i32>} : memref<3x80xf32, #tpu.memory_space<vmem>>, vector<16xf32>,
      tpu.vector_store %arg12[%swap3A_282, %swap3A_283], %gather3A_281 {strides = array<i32>} : memref<3x80xf32, #tpu.memory_space<vmem>>, vector<16xf32>,
      %get3A_285 = arith.index_cast %rem3A_266 : i32 to index
      %get3A_286 = arith.constant 48 : index
      %get3A_287 = tpu.vector_load %arg10[%get3A_285, %get3A_286] {strides = array<i32>} : memref<3x80xi32, #tpu.memory_space<vmem>>, vector<16xi32>,
      %gather3A_288 = tpu.vector_load_idx %arg8[%get3A_287] : memref<10000xf32, #tpu.memory_space<vmem>>[vector<16xi32>], vector<16xf32>,
      %swap3A_289 = arith.index_cast %rem3A_266 : i32 to index
      %swap3A_290 = arith.constant 48 : index
      %swap3A_291 = tpu.vector_load %arg12[%swap3A_289, %swap3A_290] {strides = array<i32>} : memref<3x80xf32, #tpu.memory_space<vmem>>, vector<16xf32>,
      tpu.vector_store %arg12[%swap3A_289, %swap3A_290], %gather3A_288 {strides = array<i32>} : memref<3x80xf32, #tpu.memory_space<vmem>>, vector<16xf32>,
      %get3A_292 = arith.index_cast %rem3A_266 : i32 to index
      %get3A_293 = arith.constant 64 : index
      %get3A_294 = tpu.vector_load %arg10[%get3A_292, %get3A_293] {strides = array<i32>} : memref<3x80xi32, #tpu.memory_space<vmem>>, vector<16xi32>,
      %gather3A_295 = tpu.vector_load_idx %arg8[%get3A_294] : memref<10000xf32, #tpu.memory_space<vmem>>[vector<16xi32>], vector<16xf32>,
      %swap3A_296 = arith.index_cast %rem3A_266 : i32 to index
      %swap3A_297 = arith.constant 64 : index
      %swap3A_298 = tpu.vector_load %arg12[%swap3A_296, %swap3A_297] {strides = array<i32>} : memref<3x80xf32, #tpu.memory_space<vmem>>, vector<16xf32>,
      tpu.vector_store %arg12[%swap3A_296, %swap3A_297], %gather3A_295 {strides = array<i32>} : memref<3x80xf32, #tpu.memory_space<vmem>>, vector<16xf32>,
      %parallel_loop3A = arith.constant 0 : i32
      %parallel_loop3A_299 = arith.constant 80 : i32
      %parallel_loop3A_300 = arith.constant 1 : i32
      scf.for %parallel_loop3A_311 = %parallel_loop3A to %parallel_loop3A_299 step %parallel_loop3A_300  : i32 {
        %parallel_loop3A_312 = vector.broadcast %rem3A_266 : i32 to vector<16xi32>
        %parallel_loop3A_313 = arith.addi %broadcast_in_dim3A_45, %parallel_loop3A_312 : vector<16xi32>
        %parallel_loop3A_314 = vector.broadcast %parallel_loop3A_311 : i32 to vector<16xi32>
        %parallel_loop3A_315 = arith.addi %broadcast_in_dim3A_45, %parallel_loop3A_314 : vector<16xi32>
        %parallel_loop3A_316 = tpu.vector_load_idx %arg12[%parallel_loop3A_313, %parallel_loop3A_315] : memref<3x80xf32, #tpu.memory_space<vmem>>[vector<16xi32>, vector<16xi32>], vector<16xf32>,
        %parallel_loop3A_317 = arith.index_cast %rem3A_266 : i32 to index
        %parallel_loop3A_318 = arith.index_cast %parallel_loop3A_311 : i32 to index
        %parallel_loop3A_319 = arith.constant 0 : index
        %parallel_loop3A_320 = tpu.vector_load %arg13[%parallel_loop3A_317, %parallel_loop3A_318, %parallel_loop3A_319] {strides = array<i32>} : memref<3x80x128xf32, #tpu.memory_space<vmem>>, vector<16xf32>,
        %parallel_loop3A_321 = arith.mulf %parallel_loop3A_320, %parallel_loop3A_316 : vector<16xf32>
        %parallel_loop3A_322 = arith.index_cast %rem3A_266 : i32 to index
        %parallel_loop3A_323 = arith.index_cast %parallel_loop3A_311 : i32 to index
        %parallel_loop3A_324 = arith.constant 0 : index
        %parallel_loop3A_325 = tpu.vector_load %arg13[%parallel_loop3A_322, %parallel_loop3A_323, %parallel_loop3A_324] {strides = array<i32>} : memref<3x80x128xf32, #tpu.memory_space<vmem>>, vector<16xf32>,
        tpu.vector_store %arg13[%parallel_loop3A_322, %parallel_loop3A_323, %parallel_loop3A_324], %parallel_loop3A_321 {strides = array<i32>} : memref<3x80x128xf32, #tpu.memory_space<vmem>>, vector<16xf32>,
        %parallel_loop3A_326 = arith.index_cast %rem3A_266 : i32 to index
        %parallel_loop3A_327 = arith.index_cast %parallel_loop3A_311 : i32 to index
        %parallel_loop3A_328 = arith.constant 16 : index
        %parallel_loop3A_329 = tpu.vector_load %arg13[%parallel_loop3A_326, %parallel_loop3A_327, %parallel_loop3A_328] {strides = array<i32>} : memref<3x80x128xf32, #tpu.memory_space<vmem>>, vector<16xf32>,
        %parallel_loop3A_330 = arith.mulf %parallel_loop3A_329, %parallel_loop3A_316 : vector<16xf32>
        %parallel_loop3A_331 = arith.index_cast %rem3A_266 : i32 to index
        %parallel_loop3A_332 = arith.index_cast %parallel_loop3A_311 : i32 to index
        %parallel_loop3A_333 = arith.constant 16 : index
        %parallel_loop3A_334 = tpu.vector_load %arg13[%parallel_loop3A_331, %parallel_loop3A_332, %parallel_loop3A_333] {strides = array<i32>} : memref<3x80x128xf32, #tpu.memory_space<vmem>>, vector<16xf32>,
        tpu.vector_store %arg13[%parallel_loop3A_331, %parallel_loop3A_332, %parallel_loop3A_333], %parallel_loop3A_330 {strides = array<i32>} : memref<3x80x128xf32, #tpu.memory_space<vmem>>, vector<16xf32>,
        %parallel_loop3A_335 = arith.index_cast %rem3A_266 : i32 to index
        %parallel_loop3A_336 = arith.index_cast %parallel_loop3A_311 : i32 to index
        %parallel_loop3A_337 = arith.constant 32 : index
        %parallel_loop3A_338 = tpu.vector_load %arg13[%parallel_loop3A_335, %parallel_loop3A_336, %parallel_loop3A_337] {strides = array<i32>} : memref<3x80x128xf32, #tpu.memory_space<vmem>>, vector<16xf32>,
        %parallel_loop3A_339 = arith.mulf %parallel_loop3A_338, %parallel_loop3A_316 : vector<16xf32>
        %parallel_loop3A_340 = arith.index_cast %rem3A_266 : i32 to index
        %parallel_loop3A_341 = arith.index_cast %parallel_loop3A_311 : i32 to index
        %parallel_loop3A_342 = arith.constant 32 : index
        %parallel_loop3A_343 = tpu.vector_load %arg13[%parallel_loop3A_340, %parallel_loop3A_341, %parallel_loop3A_342] {strides = array<i32>} : memref<3x80x128xf32, #tpu.memory_space<vmem>>, vector<16xf32>,
        tpu.vector_store %arg13[%parallel_loop3A_340, %parallel_loop3A_341, %parallel_loop3A_342], %parallel_loop3A_339 {strides = array<i32>} : memref<3x80x128xf32, #tpu.memory_space<vmem>>, vector<16xf32>,
        %parallel_loop3A_344 = arith.index_cast %rem3A_266 : i32 to index
        %parallel_loop3A_345 = arith.index_cast %parallel_loop3A_311 : i32 to index
        %parallel_loop3A_346 = arith.constant 48 : index
        %parallel_loop3A_347 = tpu.vector_load %arg13[%parallel_loop3A_344, %parallel_loop3A_345, %parallel_loop3A_346] {strides = array<i32>} : memref<3x80x128xf32, #tpu.memory_space<vmem>>, vector<16xf32>,
        %parallel_loop3A_348 = arith.mulf %parallel_loop3A_347, %parallel_loop3A_316 : vector<16xf32>
        %parallel_loop3A_349 = arith.index_cast %rem3A_266 : i32 to index
        %parallel_loop3A_350 = arith.index_cast %parallel_loop3A_311 : i32 to index
        %parallel_loop3A_351 = arith.constant 48 : index
        %parallel_loop3A_352 = tpu.vector_load %arg13[%parallel_loop3A_349, %parallel_loop3A_350, %parallel_loop3A_351] {strides = array<i32>} : memref<3x80x128xf32, #tpu.memory_space<vmem>>, vector<16xf32>,
        tpu.vector_store %arg13[%parallel_loop3A_349, %parallel_loop3A_350, %parallel_loop3A_351], %parallel_loop3A_348 {strides = array<i32>} : memref<3x80x128xf32, #tpu.memory_space<vmem>>, vector<16xf32>,
        %parallel_loop3A_353 = arith.index_cast %rem3A_266 : i32 to index
        %parallel_loop3A_354 = arith.index_cast %parallel_loop3A_311 : i32 to index
        %parallel_loop3A_355 = arith.constant 64 : index
        %parallel_loop3A_356 = tpu.vector_load %arg13[%parallel_loop3A_353, %parallel_loop3A_354, %parallel_loop3A_355] {strides = array<i32>} : memref<3x80x128xf32, #tpu.memory_space<vmem>>, vector<16xf32>,
        %parallel_loop3A_357 = arith.mulf %parallel_loop3A_356, %parallel_loop3A_316 : vector<16xf32>
        %parallel_loop3A_358 = arith.index_cast %rem3A_266 : i32 to index
        %parallel_loop3A_359 = arith.index_cast %parallel_loop3A_311 : i32 to index
        %parallel_loop3A_360 = arith.constant 64 : index
        %parallel_loop3A_361 = tpu.vector_load %arg13[%parallel_loop3A_358, %parallel_loop3A_359, %parallel_loop3A_360] {strides = array<i32>} : memref<3x80x128xf32, #tpu.memory_space<vmem>>, vector<16xf32>,
        tpu.vector_store %arg13[%parallel_loop3A_358, %parallel_loop3A_359, %parallel_loop3A_360], %parallel_loop3A_357 {strides = array<i32>} : memref<3x80x128xf32, #tpu.memory_space<vmem>>, vector<16xf32>,
        %parallel_loop3A_362 = arith.index_cast %rem3A_266 : i32 to index
        %parallel_loop3A_363 = arith.index_cast %parallel_loop3A_311 : i32 to index
        %parallel_loop3A_364 = arith.constant 80 : index
        %parallel_loop3A_365 = tpu.vector_load %arg13[%parallel_loop3A_362, %parallel_loop3A_363, %parallel_loop3A_364] {strides = array<i32>} : memref<3x80x128xf32, #tpu.memory_space<vmem>>, vector<16xf32>,
        %parallel_loop3A_366 = arith.mulf %parallel_loop3A_365, %parallel_loop3A_316 : vector<16xf32>
        %parallel_loop3A_367 = arith.index_cast %rem3A_266 : i32 to index
        %parallel_loop3A_368 = arith.index_cast %parallel_loop3A_311 : i32 to index
        %parallel_loop3A_369 = arith.constant 80 : index
        %parallel_loop3A_370 = tpu.vector_load %arg13[%parallel_loop3A_367, %parallel_loop3A_368, %parallel_loop3A_369] {strides = array<i32>} : memref<3x80x128xf32, #tpu.memory_space<vmem>>, vector<16xf32>,
        tpu.vector_store %arg13[%parallel_loop3A_367, %parallel_loop3A_368, %parallel_loop3A_369], %parallel_loop3A_366 {strides = array<i32>} : memref<3x80x128xf32, #tpu.memory_space<vmem>>, vector<16xf32>,
        %parallel_loop3A_371 = arith.index_cast %rem3A_266 : i32 to index
        %parallel_loop3A_372 = arith.index_cast %parallel_loop3A_311 : i32 to index
        %parallel_loop3A_373 = arith.constant 96 : index
        %parallel_loop3A_374 = tpu.vector_load %arg13[%parallel_loop3A_371, %parallel_loop3A_372, %parallel_loop3A_373] {strides = array<i32>} : memref<3x80x128xf32, #tpu.memory_space<vmem>>, vector<16xf32>,
        %parallel_loop3A_375 = arith.mulf %parallel_loop3A_374, %parallel_loop3A_316 : vector<16xf32>
        %parallel_loop3A_376 = arith.index_cast %rem3A_266 : i32 to index
        %parallel_loop3A_377 = arith.index_cast %parallel_loop3A_311 : i32 to index
        %parallel_loop3A_378 = arith.constant 96 : index
        %parallel_loop3A_379 = tpu.vector_load %arg13[%parallel_loop3A_376, %parallel_loop3A_377, %parallel_loop3A_378] {strides = array<i32>} : memref<3x80x128xf32, #tpu.memory_space<vmem>>, vector<16xf32>,
        tpu.vector_store %arg13[%parallel_loop3A_376, %parallel_loop3A_377, %parallel_loop3A_378], %parallel_loop3A_375 {strides = array<i32>} : memref<3x80x128xf32, #tpu.memory_space<vmem>>, vector<16xf32>,
        %parallel_loop3A_380 = arith.index_cast %rem3A_266 : i32 to index
        %parallel_loop3A_381 = arith.index_cast %parallel_loop3A_311 : i32 to index
        %parallel_loop3A_382 = arith.constant 112 : index
        %parallel_loop3A_383 = tpu.vector_load %arg13[%parallel_loop3A_380, %parallel_loop3A_381, %parallel_loop3A_382] {strides = array<i32>} : memref<3x80x128xf32, #tpu.memory_space<vmem>>, vector<16xf32>,
        %parallel_loop3A_384 = arith.mulf %parallel_loop3A_383, %parallel_loop3A_316 : vector<16xf32>
        %parallel_loop3A_385 = arith.index_cast %rem3A_266 : i32 to index
        %parallel_loop3A_386 = arith.index_cast %parallel_loop3A_311 : i32 to index
        %parallel_loop3A_387 = arith.constant 112 : index
        %parallel_loop3A_388 = tpu.vector_load %arg13[%parallel_loop3A_385, %parallel_loop3A_386, %parallel_loop3A_387] {strides = array<i32>} : memref<3x80x128xf32, #tpu.memory_space<vmem>>, vector<16xf32>,
        tpu.vector_store %arg13[%parallel_loop3A_385, %parallel_loop3A_386, %parallel_loop3A_387], %parallel_loop3A_384 {strides = array<i32>} : memref<3x80x128xf32, #tpu.memory_space<vmem>>, vector<16xf32>,
      } {sc.loop_unroll_factor = 4 : i64, sc.parallel_access}
      %dma_start3A_301 = arith.constant 0 : i32
      %dma_start3A_302 = arith.constant 0 : i32
      %dma_start3A_303 = tpu.memref_slice %arg13[%rem3A_266, %dma_start3A_301, %dma_start3A_302] : memref<3x80x128xf32, #tpu.memory_space<vmem>> -> memref<1x80x128xf32, #tpu.memory_space<vmem>>
      %dma_start3A_304 = tpu.memref_squeeze %dma_start3A_303 : memref<1x80x128xf32, #tpu.memory_space<vmem>> -> memref<80x128xf32, #tpu.memory_space<vmem>>
      %dma_start3A_305 = arith.constant 0 : i32
      %dma_start3A_306 = tpu.memref_slice %arg11[%rem3A_266, %dma_start3A_305] : memref<3x80xi32, #tpu.memory_space<vmem>> -> memref<1x80xi32, #tpu.memory_space<vmem>>
      %dma_start3A_307 = tpu.memref_squeeze %dma_start3A_306 : memref<1x80xi32, #tpu.memory_space<vmem>> -> memref<80xi32, #tpu.memory_space<vmem>>
      %dma_start3A_308 = arith.constant 0 : i32
      %dma_start3A_309 = arith.constant 0 : i32
      %dma_start3A_310 = tpu.memref_slice %arg14[%dma_start3A_308, %dma_start3A_309] : memref<10000x128xf32, #tpu.memory_space<vmem_shared>> -> memref<10000x128xf32, #tpu.memory_space<vmem_shared>>
      tpu.enqueue_indirect_dma source(%dma_start3A_304 : memref<80x128xf32, #tpu.memory_space<vmem>>) target(%dma_start3A_310 : memref<10000x128xf32, #tpu.memory_space<vmem_shared>>) offsets(%dma_start3A_307 : memref<80xi32, #tpu.memory_space<vmem>>) semaphore(%arg19 : memref<!tpu.dma_semaphore, #tpu.memory_space<semaphore_mem>>) {add = true}
    }
    %scan3A_158 = arith.constant 125 : i32
    %rem3A_159 = arith.constant 123 : i32
    %rem3A_160 = arith.constant 3 : i32
    %rem3A_161 = arith.remsi %rem3A_159, %rem3A_160 : i32
    %rem3A_162 = arith.constant 123 : i32
    %rem3A_163 = arith.constant 3 : i32
    %rem3A_164 = arith.remsi %rem3A_162, %rem3A_163 : i32
    %dma_wait3A_165 = arith.constant 0 : i32
    %dma_wait3A_166 = arith.constant 0 : i32
    %dma_wait3A_167 = tpu.memref_slice %arg13[%rem3A_161, %dma_wait3A_165, %dma_wait3A_166] : memref<3x80x128xf32, #tpu.memory_space<vmem>> -> memref<1x80x128xf32, #tpu.memory_space<vmem>>
    %dma_wait3A_168 = tpu.memref_squeeze %dma_wait3A_167 : memref<1x80x128xf32, #tpu.memory_space<vmem>> -> memref<80x128xf32, #tpu.memory_space<vmem>>
    %dma_wait3A_169 = arith.constant 0 : i32
    %dma_wait3A_170 = tpu.memref_slice %arg11[%rem3A_164, %dma_wait3A_169] : memref<3x80xi32, #tpu.memory_space<vmem>> -> memref<1x80xi32, #tpu.memory_space<vmem>>
    %dma_wait3A_171 = tpu.memref_squeeze %dma_wait3A_170 : memref<1x80xi32, #tpu.memory_space<vmem>> -> memref<80xi32, #tpu.memory_space<vmem>>
    %dma_wait3A_172 = arith.constant 0 : i32
    %dma_wait3A_173 = arith.constant 0 : i32
    %dma_wait3A_174 = tpu.memref_slice %arg14[%dma_wait3A_172, %dma_wait3A_173] : memref<10000x128xf32, #tpu.memory_space<vmem_shared>> -> memref<10000x128xf32, #tpu.memory_space<vmem_shared>>
    tpu.wait_indirect_dma semaphore(%arg19 : memref<!tpu.dma_semaphore, #tpu.memory_space<semaphore_mem>>) src(%dma_wait3A_168 : memref<80x128xf32, #tpu.memory_space<vmem>>) dst(%dma_wait3A_174 : memref<10000x128xf32, #tpu.memory_space<vmem_shared>>)
    %rem3A_175 = arith.constant 124 : i32
    %rem3A_176 = arith.constant 3 : i32
    %rem3A_177 = arith.remsi %rem3A_175, %rem3A_176 : i32
    %rem3A_178 = arith.constant 124 : i32
    %rem3A_179 = arith.constant 3 : i32
    %rem3A_180 = arith.remsi %rem3A_178, %rem3A_179 : i32
    %dma_wait3A_181 = arith.constant 0 : i32
    %dma_wait3A_182 = arith.constant 0 : i32
    %dma_wait3A_183 = tpu.memref_slice %arg13[%rem3A_177, %dma_wait3A_181, %dma_wait3A_182] : memref<3x80x128xf32, #tpu.memory_space<vmem>> -> memref<1x80x128xf32, #tpu.memory_space<vmem>>
    %dma_wait3A_184 = tpu.memref_squeeze %dma_wait3A_183 : memref<1x80x128xf32, #tpu.memory_space<vmem>> -> memref<80x128xf32, #tpu.memory_space<vmem>>
    %dma_wait3A_185 = arith.constant 0 : i32
    %dma_wait3A_186 = tpu.memref_slice %arg11[%rem3A_180, %dma_wait3A_185] : memref<3x80xi32, #tpu.memory_space<vmem>> -> memref<1x80xi32, #tpu.memory_space<vmem>>
    %dma_wait3A_187 = tpu.memref_squeeze %dma_wait3A_186 : memref<1x80xi32, #tpu.memory_space<vmem>> -> memref<80xi32, #tpu.memory_space<vmem>>
    %dma_wait3A_188 = arith.constant 0 : i32
    %dma_wait3A_189 = arith.constant 0 : i32
    %dma_wait3A_190 = tpu.memref_slice %arg14[%dma_wait3A_188, %dma_wait3A_189] : memref<10000x128xf32, #tpu.memory_space<vmem_shared>> -> memref<10000x128xf32, #tpu.memory_space<vmem_shared>>
    tpu.wait_indirect_dma semaphore(%arg19 : memref<!tpu.dma_semaphore, #tpu.memory_space<semaphore_mem>>) src(%dma_wait3A_184 : memref<80x128xf32, #tpu.memory_space<vmem>>) dst(%dma_wait3A_190 : memref<10000x128xf32, #tpu.memory_space<vmem_shared>>)
    %barrier3A_191 = arith.constant 0 : index
    tpu.barrier barrier_id(%barrier3A_191)
    %lt3A = arith.constant 15 : i32
    %lt3A_192 = arith.cmpi slt, %arg1, %lt3A : i32
    %convert_element_type3A = arith.extui %lt3A_192 : i1 to i32
    %cond3A = arith.constant 0 : i32
    %cond3A_193 = arith.cmpi ne, %convert_element_type3A, %cond3A : i32
    scf.if %cond3A_193 {
      %mul3A_198 = arith.constant 632 : i32
      %mul3A_199 = arith.muli %arg1, %mul3A_198 : i32
      %mul3A_200 = arith.constant 632 : i32
      %mul3A_201 = arith.muli %arg1, %mul3A_200 : i32
      %mul3A_202 = arith.constant 128 : i32
      %mul3A_203 = arith.muli %arg0, %mul3A_202 : i32
      "tpu.region"() ({
        %run_scoped3A_204 = tpu.sem_alloc : memref<!tpu.dma_semaphore, #tpu.memory_space<semaphore_mem>>
        %dma_start3A_205 = tpu.memref_slice %arg7[%mul3A_201, %mul3A_203] : memref<10000x256xf32, #tpu.memory_space<hbm>> -> memref<632x128xf32, #tpu.memory_space<hbm>>
        %dma_start3A_206 = arith.constant 0 : i32
        %dma_start3A_207 = tpu.memref_slice %arg14[%mul3A_199, %dma_start3A_206] : memref<10000x128xf32, #tpu.memory_space<vmem_shared>> -> memref<632x128xf32, #tpu.memory_space<vmem_shared>>
        tpu.enqueue_dma source(%dma_start3A_207 : memref<632x128xf32, #tpu.memory_space<vmem_shared>>) target(%dma_start3A_205 : memref<632x128xf32, #tpu.memory_space<hbm>>) target_semaphore(%run_scoped3A_204 : memref<!tpu.dma_semaphore, #tpu.memory_space<semaphore_mem>>)
        %dma_wait3A_208 = tpu.memref_slice %arg7[%mul3A_201, %mul3A_203] : memref<10000x256xf32, #tpu.memory_space<hbm>> -> memref<632x128xf32, #tpu.memory_space<hbm>>
        %dma_wait3A_209 = arith.constant 0 : i32
        %dma_wait3A_210 = tpu.memref_slice %arg14[%mul3A_199, %dma_wait3A_209] : memref<10000x128xf32, #tpu.memory_space<vmem_shared>> -> memref<632x128xf32, #tpu.memory_space<vmem_shared>>
        tpu.wait_dma2 semaphore(%run_scoped3A_204 : memref<!tpu.dma_semaphore, #tpu.memory_space<semaphore_mem>>) src(%dma_wait3A_210 : memref<632x128xf32, #tpu.memory_space<vmem_shared>>) dst(%dma_wait3A_208 : memref<632x128xf32, #tpu.memory_space<hbm>>)
        tpu.yield
      }) : () -> ()
    } else {
    }
    %eq3A = arith.constant 15 : i32
    %eq3A_194 = arith.cmpi eq, %arg1, %eq3A : i32
    %convert_element_type3A_195 = arith.extui %eq3A_194 : i1 to i32
    %cond3A_196 = arith.constant 0 : i32
    %cond3A_197 = arith.cmpi ne, %convert_element_type3A_195, %cond3A_196 : i32
    scf.if %cond3A_197 {
      %mul3A_198 = arith.constant 128 : i32
      %mul3A_199 = arith.muli %arg0, %mul3A_198 : i32
      "tpu.region"() ({
        %run_scoped3A_200 = tpu.sem_alloc : memref<!tpu.dma_semaphore, #tpu.memory_space<semaphore_mem>>
        %dma_start3A_201 = arith.constant 9480 : i32
        %dma_start3A_202 = tpu.memref_slice %arg7[%dma_start3A_201, %mul3A_199] : memref<10000x256xf32, #tpu.memory_space<hbm>> -> memref<520x128xf32, #tpu.memory_space<hbm>>
        %dma_start3A_203 = arith.constant 9480 : i32
        %dma_start3A_204 = arith.constant 0 : i32
        %dma_start3A_205 = tpu.memref_slice %arg14[%dma_start3A_203, %dma_start3A_204] : memref<10000x128xf32, #tpu.memory_space<vmem_shared>> -> memref<520x128xf32, #tpu.memory_space<vmem_shared>>
        tpu.enqueue_dma source(%dma_start3A_205 : memref<520x128xf32, #tpu.memory_space<vmem_shared>>) target(%dma_start3A_202 : memref<520x128xf32, #tpu.memory_space<hbm>>) target_semaphore(%run_scoped3A_200 : memref<!tpu.dma_semaphore, #tpu.memory_space<semaphore_mem>>)
        %dma_wait3A_206 = arith.constant 9480 : i32
        %dma_wait3A_207 = tpu.memref_slice %arg7[%dma_wait3A_206, %mul3A_199] : memref<10000x256xf32, #tpu.memory_space<hbm>> -> memref<520x128xf32, #tpu.memory_space<hbm>>
        %dma_wait3A_208 = arith.constant 9480 : i32
        %dma_wait3A_209 = arith.constant 0 : i32
        %dma_wait3A_210 = tpu.memref_slice %arg14[%dma_wait3A_208, %dma_wait3A_209] : memref<10000x128xf32, #tpu.memory_space<vmem_shared>> -> memref<520x128xf32, #tpu.memory_space<vmem_shared>>
        tpu.wait_dma2 semaphore(%run_scoped3A_200 : memref<!tpu.dma_semaphore, #tpu.memory_space<semaphore_mem>>) src(%dma_wait3A_210 : memref<520x128xf32, #tpu.memory_space<vmem_shared>>) dst(%dma_wait3A_207 : memref<520x128xf32, #tpu.memory_space<hbm>>)
        tpu.yield
      }) : () -> ()
    } else {
    }
    return
  }
}

module attributes {stable_mosaic.version = 14 : i64} {
  func.func @body(%arg0: i32, %arg1: memref<200x256xf32, #tpu.memory_space<vmem>>, %arg2: memref<128x256xf32, #tpu.memory_space<vmem>>, %arg3: memref<1x128xf32, #tpu.memory_space<vmem>>, %arg4: memref<20x128xf32, #tpu.memory_space<vmem>>, %arg5: memref<1x20x200x128xf32, #tpu.memory_space<vmem>>) attributes {dimension_semantics = [#tpu.dimension_semantics<arbitrary>], iteration_bounds = array<i64: 2>, scalar_prefetch = 0 : i64, scratch_operands = 0 : i64, tpu.core_type = #tpu.core_type<tc>, window_params = [{pipeline_mode = #tpu.pipeline_mode<synchronous>, transform_indices = @transform_0, window_bounds = array<i64: 200, 256>}, {transform_indices = @transform_1, window_bounds = array<i64: 128, 256>}, {transform_indices = @transform_2, window_bounds = array<i64: 1, 128>}, {transform_indices = @transform_3, window_bounds = array<i64: 20, 128>}, {transform_indices = @transform_4, window_bounds = array<i64: 1, 20, 200, 128>}]} {
    %get3A = arith.constant 0 : index
    %get3A_0 = arith.constant 0 : index
    %get3A_1 = vector.load %arg1[%get3A, %get3A_0] : memref<200x256xf32, #tpu.memory_space<vmem>>, vector<200x256xf32>
    %get3A_2 = arith.constant 0 : index
    %get3A_3 = arith.constant 0 : index
    %get3A_4 = vector.load %arg2[%get3A_2, %get3A_3] : memref<128x256xf32, #tpu.memory_space<vmem>>, vector<128x256xf32>
    %dot_general3A = arith.constant dense<0.000000e+00> : vector<200x128xf32>
    %dot_general3A_5 = tpu.matmul %get3A_1, %get3A_4, %dot_general3A {dimension_numbers = #tpu.dot_dimension_numbers<[1], [1], [0], [0], [0, 0, 1, 0], [], []>, transpose_lhs_hint = false} : vector<200x256xf32>, vector<128x256xf32>, vector<200x128xf32> -> vector<200x128xf32>
    %get3A_6 = arith.constant 0 : index
    %get3A_7 = arith.constant 0 : index
    %get3A_8 = vector.load %arg3[%get3A_6, %get3A_7] : memref<1x128xf32, #tpu.memory_space<vmem>>, vector<1x128xf32>
    %add3A = vector.broadcast %get3A_8 : vector<1x128xf32> to vector<200x128xf32>
    %add3A_9 = arith.addf %dot_general3A_5, %add3A : vector<200x128xf32>
    %max3A = arith.constant 0.000000e+00 : f32
    %max3A_10 = vector.broadcast %max3A : f32 to vector<200x128xf32>
    %max3A_11 = arith.maximumf %add3A_9, %max3A_10 : vector<200x128xf32>
    %get3A_12 = arith.constant 0 : index
    %get3A_13 = arith.constant 0 : index
    %get3A_14 = vector.load %arg4[%get3A_12, %get3A_13] : memref<20x128xf32, #tpu.memory_space<vmem>>, vector<20x128xf32>
    %broadcast_in_dim3A = vector.shape_cast %get3A_14 : vector<20x128xf32> to vector<20x1x128xf32>
    %broadcast_in_dim3A_15 = vector.shape_cast %max3A_11 : vector<200x128xf32> to vector<1x200x128xf32>
    %mul3A = vector.broadcast %broadcast_in_dim3A : vector<20x1x128xf32> to vector<20x200x128xf32>
    %mul3A_16 = vector.broadcast %broadcast_in_dim3A_15 : vector<1x200x128xf32> to vector<20x200x128xf32>
    %mul3A_17 = arith.mulf %mul3A, %mul3A_16 : vector<20x200x128xf32>
    %swap3A = arith.constant 0 : index
    %swap3A_18 = arith.constant 0 : index
    %swap3A_19 = arith.constant 0 : index
    %swap3A_20 = arith.constant 0 : index
    %swap3A_21 = vector.load %arg5[%swap3A, %swap3A_18, %swap3A_19, %swap3A_20] : memref<1x20x200x128xf32, #tpu.memory_space<vmem>>, vector<1x20x200x128xf32>
    %swap3A_22 = vector.shape_cast %swap3A_21 : vector<1x20x200x128xf32> to vector<20x200x128xf32>
    %swap3A_23 = vector.shape_cast %mul3A_17 : vector<20x200x128xf32> to vector<1x20x200x128xf32>
    tpu.vector_store %arg5[%swap3A, %swap3A_18, %swap3A_19, %swap3A_20], %swap3A_23 {strides = array<i32>} : memref<1x20x200x128xf32, #tpu.memory_space<vmem>>, vector<1x20x200x128xf32>,
    return
  }
  func.func @transform_0(%arg0: i32) -> (i32, i32) {
    %c0_i32 = arith.constant 0 : i32
    %c0_i32_0 = arith.constant 0 : i32
    %c0_i32_1 = arith.constant 0 : i32
    return %c0_i32, %c0_i32_0 : i32, i32
  }
  func.func @transform_1(%arg0: i32) -> (i32, i32) {
    %c0_i32 = arith.constant 0 : i32
    %c0_i32_0 = arith.constant 0 : i32
    return %arg0, %c0_i32 : i32, i32
  }
  func.func @transform_2(%arg0: i32) -> (i32, i32) {
    %c0_i32 = arith.constant 0 : i32
    %c0_i32_0 = arith.constant 0 : i32
    return %c0_i32, %arg0 : i32, i32
  }
  func.func @transform_3(%arg0: i32) -> (i32, i32) {
    %c0_i32 = arith.constant 0 : i32
    %c0_i32_0 = arith.constant 0 : i32
    return %c0_i32, %arg0 : i32, i32
  }
  func.func @transform_4(%arg0: i32) -> (i32, i32, i32, i32) {
    %c0_i32 = arith.constant 0 : i32
    %c0_i32_0 = arith.constant 0 : i32
    %c0_i32_1 = arith.constant 0 : i32
    %c0_i32_2 = arith.constant 0 : i32
    return %arg0, %c0_i32, %c0_i32_0, %c0_i32_1 : i32, i32, i32, i32
  }
}

</mosaic_0001>

<sc_bundles>
// kernel: kernel.4.cloned.1.call-start
scs
__scs_entry_jumppad:
0x0: {  	(pc) =	sbr.rel $0x88, $3  }
0x1: {  	(tag) =	ssettag $0x0;
	lr =	simm.s32 $0x1  }
0x2: {  	[smem:$0x3F98] =	sst lr;
	_ =	strace $0xD0000000  }
0x3: {  	_ = 	snop  }
0x4: {  	_ = 	snop  }
0x5: {  	_ = 	snop  }
0x6: {  	_ = 	snop  }
0x7: {  	_ = 	snop  }
__scs_overlays_trampoline_lowered:
0x8: {  	[smem:$0x3FA7] =	sst s0  }
0x9: {  	[smem:$0x3FA8] =	sst s1  }
0xa: {  	[smem:$0x3FA9] =	sst s2  }
0xb: {  	[smem:$0x3FAA] =	sst s3  }
0xc: {  	[smem:$0x3FAB] =	sst s4  }
0xd: {  	[smem:$0x3FAC] =	sst s5  }
0xe: {  	[smem:$0x3FAD] =	sst s6  }
0xf: {  	[smem:$0x3FAE] =	sst s7  }
0x10: {  	[smem:$0x3FAF] =	sst s8  }
0x11: {  	[smem:$0x3FB0] =	sst s9;
	s0 =	simm.s32 @!p0 $0x0  }
0x12: {  	s1 =	sld [smem:$0x3F96];
	s0 =	simm.s32 @p0 $0x1  }
0x13: {  	[smem:$0x3FB1] =	sst s0;
	s0 =	simm.s32 @!p1 $0x0  }
0x14: {  	s2 =	sld [smem:$0x3F95];
	s0 =	simm.s32 @p1 $0x1  }
0x15: {  	[smem:$0x3FB2] =	sst s0;
	s0 =	simm.s32 @!p2 $0x0  }
0x16: {  	s3 =	sld [smem:$0x3FDB];
	s0 =	simm.s32 @p2 $0x1  }
0x17: {  	s4 =	simm.s32 $0x1BF5;
	[smem:$0x3FB4] =	sst s0  }
0x18: {  	s0 =	sld [smem:$0x3F97];
	_ =	swait.ge [sflag:s4], $0x0  }
0x19: {  	s7 =	sld [smem:$0x3F98]  }
0x1a: {  	s8 =	sadd.s32 $0xFFFFE003, lr  }
0x1b: {  	s9 =	sadd.s32 $0xFFFFFEF7, lr;
	s5 =	simm.s32 $0xFFFFFFFF;
	p2 =	slt.u32 s8, $0xFFFFF086  }
0x1c: {  	p1 =	slt.u32 s9, $0xF7A;
	s5 =	simm.s32 @!p2 $0x0  }
0x1d: {  	s5 =	simm.s32 @p1 $0x1;
	p0 =	seq.s32 s7, s2  }
0x1e: {  	s7 =	smul.u32 @!p0 $0xF7A, s2;
	p2 =	seq.s32 @!p0 s5, $0x0  }
0x1f: {  	s9 =	smul.u32 $0xF7A, s1;
	s8 =	simm.s32 @!p0 $0x1BF5;
	p2 =	por !p2, p0  }
0x20: {  	[sflag:s8] =	ssyncset.s32 @!p0 $0xFFFFF086;
	s6 =	sadd.s32 @!p0 s3, s7;
	s7 =	simm.s32 @!p0 $0x108  }
0x21: {  	s3 =	sadd.s32 s3, s9;
	s6 =	sadd.s32 @!p0 $0x88, s6;
	s7 =	simm.s32 @p2 $0x1082  }
0x22: {  	[simem:s7], [sflag:s8] =	dma.local @!p0 [hbm:s6], $0xF7A  }
0x23: {  	s9 =	sor.u32 $0xD0000000, s2;
	s6 =	simm.s32 $0x108;
	_ =	swait.ge @!p0 [sflag:s8], $0x0  }
0x24: {  	s3 =	sadd.s32 $0x88, s3;
	s6 =	simm.s32 @!p1 $0x1082;
	[sflag:s4] =	ssyncset.s32 $0xFFFFF086  }
0x25: {  	[simem:s6], [sflag:s4] =	dma.local [hbm:s3], $0xF7A  }
0x26: {  	[smem:$0x3F98] =	sst s1;
	(tag) =	ssettag s2;
	_ =	strace s9  }
0x27: {  	s1 =	sld [smem:$0x3FA8]  }
0x28: {  	s2 =	sld [smem:$0x3FA9]  }
0x29: {  	s4 =	sld [smem:$0x3FAB]  }
0x2a: {  	p0 =	seq.s32 s5, $0x0;
	s5 =	sld [smem:$0x3FAC]  }
0x2b: {  	s6 =	sld [smem:$0x3FAD]  }
0x2c: {  	s7 =	sld [smem:$0x3FAE]  }
0x2d: {  	s3 =	simm.s32 $0x108;
	s8 =	sld [smem:$0x3FAF]  }
0x2e: {  	s3 =	simm.s32 @!p0 $0x1082;
	s9 =	sld [smem:$0x3FB0]  }
0x2f: {  	lr =	sadd.s32 s0, s3;
	s0 =	sld [smem:$0x3FA7]  }
0x30: {  	s3 =	sld [smem:$0x3FAA]  }
0x31: {  	[smem:$0x3FB3] =	sst s10  }
0x32: {  	s10 =	sld [smem:$0x3FB1];
	_ =	sdelay $0x3  }
0x33: {  	p0 =	seq.s32 s10, $0x1;
	s10 =	sld [smem:$0x3FB3];
	_ =	sdelay $0x3  }
0x34: {  	[smem:$0x3FB3] =	sst s10  }
0x35: {  	s10 =	sld [smem:$0x3FB2];
	_ =	sdelay $0x3  }
0x36: {  	p1 =	seq.s32 s10, $0x1;
	s10 =	sld [smem:$0x3FB3];
	_ =	sdelay $0x3  }
0x37: {  	[smem:$0x3FB3] =	sst s10  }
0x38: {  	s10 =	sld [smem:$0x3FB4]  }
0x39: {  	_ = 	snop;
	(pc) =	sbr.ind lr, $3  }
0x3a: {  	_ = 	snop  }
0x3b: {  	_ = 	snop  }
0x3c: {  	p2 =	seq.s32 s10, $0x1;
	s10 =	sld [smem:$0x3FB3]  }
0x3d: {  	_ =	shalt  }
0x3e: {  	_ =	shalt  }
0x3f: {  	_ =	shalt  }
0x40: {  	_ =	shalt  }
0x41: {  	_ =	shalt  }
0x42: {  	_ =	shalt  }
0x43: {  	_ =	shalt  }
0x44: {  	_ =	shalt  }
0x45: {  	_ =	shalt  }
0x46: {  	_ =	shalt  }
0x47: {  	_ =	shalt  }
0x48: {  	_ =	shalt  }
0x49: {  	_ =	shalt  }
0x4a: {  	_ =	shalt  }
0x4b: {  	_ =	shalt  }
0x4c: {  	_ =	shalt  }
0x4d: {  	_ =	shalt  }
0x4e: {  	_ =	shalt  }
0x4f: {  	_ =	shalt  }
0x50: {  	_ =	shalt  }
0x51: {  	_ =	shalt  }
0x52: {  	_ =	shalt  }
0x53: {  	_ =	shalt  }
0x54: {  	_ =	shalt  }
0x55: {  	_ =	shalt  }
0x56: {  	_ =	shalt  }
0x57: {  	_ =	shalt  }
0x58: {  	_ =	shalt  }
0x59: {  	_ =	shalt  }
0x5a: {  	_ =	shalt  }
0x5b: {  	_ =	shalt  }
0x5c: {  	_ =	shalt  }
0x5d: {  	_ =	shalt  }
0x5e: {  	_ =	shalt  }
0x5f: {  	_ =	shalt  }
0x60: {  	_ =	shalt  }
0x61: {  	_ =	shalt  }
0x62: {  	_ =	shalt  }
0x63: {  	_ =	shalt  }
0x64: {  	_ =	shalt  }
0x65: {  	_ =	shalt  }
0x66: {  	_ =	shalt  }
0x67: {  	_ =	shalt  }
0x68: {  	_ =	shalt  }
0x69: {  	_ =	shalt  }
0x6a: {  	_ =	shalt  }
0x6b: {  	_ =	shalt  }
0x6c: {  	_ =	shalt  }
0x6d: {  	_ =	shalt  }
0x6e: {  	_ =	shalt  }
0x6f: {  	_ =	shalt  }
0x70: {  	_ =	shalt  }
0x71: {  	_ =	shalt  }
0x72: {  	_ =	shalt  }
0x73: {  	_ =	shalt  }
0x74: {  	_ =	shalt  }
0x75: {  	_ =	shalt  }
0x76: {  	_ =	shalt  }
0x77: {  	_ =	shalt  }
0x78: {  	_ =	shalt  }
0x79: {  	_ =	shalt  }
0x7a: {  	_ =	shalt  }
0x7b: {  	_ =	shalt  }
0x7c: {  	_ =	shalt  }
0x7d: {  	_ =	shalt  }
0x7e: {  	_ =	shalt  }
0x7f: {  	_ =	shalt  }
0x80: {  	_ =	shalt  }
0x81: {  	_ =	shalt  }
0x82: {  	_ =	shalt  }
0x83: {  	_ =	shalt  }
0x84: {  	_ =	shalt  }
0x85: {  	_ =	shalt  }
0x86: {  	_ =	shalt  }
0x87: {  	_ =	shalt  }
.Lfunc_end0:
.L_simem_size_0:
called_computation_lowered:
.L_overlay_start_0:
0x88: {  	s2 =	sld [smem:$0x3FD9]  }
0x89: {  	s3 =	sld [smem:$0x3FFE];
	_ =	sdelay $0x1  }
0x8a: {  	s1 =	srdreg.scid  }
0x8b: {  	s0 =	sand.u32 $0x1, s1  }
0x8c: {  	s17 =	sshll.u32 s0, $0xA;
	s2 =	sadd.s32 s3, s2  }
0x8d: {  	s2 =	sadd.s32 s2, s17  }
0x8e: {  	[smem:$0x3FBF] =	sst s2  }
0x8f: {  	_ = 	snop  }
0x90: {  	s2 =	sld [smem:$0x3FC9]  }
0x91: {  	s18 =	sld [smem:$0x3FC7]  }
0x92: {  	s4 =	sld [smem:$0x3FD0];
	(tm) =	ssettm $0x1  }
0x93: {  	s5 =	sld [smem:$0x3FFB];
	_ =	sdelay $0x3  }
0x94: {  	_ =	strace s5  }
0x95: {  	s5 =	sld [smem:$0x3FFC];
	_ =	sdelay $0x3  }
0x96: {  	_ =	strace s5  }
0x97: {  	s5 =	sld [smem:$0x3FFD];
	_ =	sdelay $0x3  }
0x98: {  	_ =	strace s5  }
0x99: {  	_ =	strace $0x8FFFFFFF  }
0x9a: {  	s19 =	sld [smem:$0x3FDB];
	_ =	sdelay $0x1  }
0x9b: {  	s6 =	simm.s32 $_scs_section_size  }
0x9c: {  	s7 =	simm.s32 $_size__tile_overlayer_lowered;
	s8 =	simm.s32 $_tile_overlayer_lowered  }
0x9d: {  	s22 =	simm.s32 $0x1BFF;
	s21 =	sshll.u32 s8, $0x1;
	s5 =	sadd.s32 s6, s19  }
0x9e: {  	s9 =	simm.s32 $0x0;
	s20 =	sshll.u32 s7, $0x1;
	s7 =	sadd.s32 s21, s5  }
0x9f: {  	[timem:s9], [sflag:s22] =	dma.local [hbm:s7], s20  }
0xa0: {  	_ =	swait.ge [sflag:s22], s20  }
0xa1: {  	s6 =	ssub.s32 $0x0, s20;
	[sflag:s22] =	ssyncset.done $0x0  }
0xa2: {  	[sflag:s22] =	ssyncadd.s32 s6;
	_ =	sdelay $0x1  }
0xa3: {  	s23 =	simm.s32 $0x1B8B  }
0xa4: {  	_ =	swait.ge [sflag:s23], $0x1  }
0xa5: {  	[sflag:s23] =	ssyncset.done $0x0  }
0xa6: {  	s25 =	simm.s32 $0x1B8E;
	s24 =	sld [smem:$0x3FFE];
	[sflag:s23] =	ssyncadd.s32 $0xFFFFFFFF  }
0xa7: {  	s26 =	simm.s32 $execute0_lowered;
	[smem:$0x3FD2] =	sst s25  }
0xa8: {  	s7 =	sshll.u32 s26, $0x1;
	_ =	strace $0x80000046;
	[dreg:$0x1] =	wrdreg $0xFFFFFFFF  }
0xa9: {  	s28 =	simm.s32 $_size_execute0_lowered;
	s5 =	sadd.s32 s5, s7;
	[dreg:$0x0] =	wrdreg $0x0  }
0xaa: {  	s7 =	sshll.u32 s28, $0x1;
	[dreg:$0x2] =	wrdreg s5  }
0xab: {  	[dreg:$0x3] =	wrdreg s7  }
0xac: {  	[dreg:$0x4] =	wrdreg $0xC0  }
0xad: {  	_ =	task [dreg:s9], $0x5FFFF  }
0xae: {  	[dreg:$0x1] =	wrdreg $0xFFFFFFFF  }
0xaf: {  	[dreg:$0x0] =	wrdreg $0x60  }
0xb0: {  	[dreg:$0x2] =	wrdreg s4  }
0xb1: {  	[dreg:$0x3] =	wrdreg s2  }
0xb2: {  	[dreg:$0x4] =	wrdreg s24  }
0xb3: {  	[dreg:$0x5] =	wrdreg s18  }
0xb4: {  	[dreg:$0x6] =	wrdreg $0xA7800  }
0xb5: {  	[dreg:$0x7] =	wrdreg $0x9  }
0xb6: {  	_ =	task.clear_ibuf [dreg:s9], $0x8FFFF;
	_ =	strace $0x90000046  }
0xb7: {  	s29 =	simm.s32 $0x9;
	_ =	strace $0x80000048  }
0xb8: {  	_ =	swait.ge [sflag:s29], $0x1  }
0xb9: {  	[sflag:s29] =	ssyncadd.s32 $0xFFFFFFFF  }
0xba: {  	_ =	strace $0x90000048  }
0xbb: {  	_ =	sfence  }
0xbc: {  	s30 =	sld [smem:$0x0];
	_ =	sdelay $0x2  }
0xbd: {  	s31 =	sshll.u32 s1, $0xD;
	s1 =	sshrl.u32 s1, $0x2  }
0xbe: {  	s3 =	sand.u32 $0x4000, s31;
	s1 =	sadd.s32 s1, s30  }
0xbf: {  	s0 =	sor.u32 s3, s0;
	s1 =	sshll.u32 s1, $0x11  }
0xc0: {  	s0 =	sor.u32 s1, s0  }
0xc1: {  	s0 =	sadd.s32 $0x8F2B, s0  }
0xc2: {  	[sflag:s0] =	ssyncadd.remote.s32 $0x1  }
0xc3: {  	_ =	sfence.sel $0xFFFF  }
0xc4: {  	[dreg:$0x0] =	wrdreg $0xFFFFFFFF;
	(pc) =	sbr.abs _section_cstart, $3  }
0xc5: {  	[dreg:$0x1] =	wrdreg $0xFFFFFFFF  }
0xc6: {  	_ =	task.clear_ibuf [dreg:s9], $0x2FFFF;
	_ =	strace $0x9FFFFFFF  }
0xc7: {  	(tm) =	ssettm $0x7FFFFFFF  }
tec
execute0_lowered:
.L_overlay_start_1:
0x0: {  	(tag) =	ssettag $0x1  }
0x1: {  	s0 =	rddreg [dreg:$0x0]  }
0x2: {  	s1 =	rddreg [dreg:$0x1]  }
0x3: {  	s3 =	rddreg [dreg:$0x2]  }
0x4: {  	s2 =	rddreg [dreg:$0x3]  }
0x5: {  	s4 =	rddreg [dreg:$0x4];
	s5 =	simm.s32 $0x0;
	s14 =	stileid.u32  }
0x6: {  	s12 =	srdreg.scid;
	s30 =	simm.s32 $0x6;
	s31 =	simm.s32 $0x2F80  }
0x7: {  	[smem:$0x7FF] =	sst s5;
	s7 =	smul.u32 $0x4E200, s14;
	s6 =	sadd.s32 $0x1400, s3  }
0x8: {  	s5 =	sand.u32 $0x1, s12;
	s8 =	sadd.s32 $0xE00, s3;
	s21 =	smul.u32 $0x27800, s14  }
0x9: {  	s3 =	sadd.s32 $0x6400, s3;
	s22 =	smul.u32 $0x4F000, s14;
	p0 =	seq.s32 s14, $0xF  }
0xa: {  	_ =	strace $0x80000047;
	[dreg:$0x6] =	wrdreg s8;
	s8 =	smul.u32 $0x2710, s14  }
0xb: {  	s10 =	ssub.s32 $0x2, s5;
	s12 =	smul.u32 $0xFA00, s5;
	s7 =	sshrl.u32 s7, $0x2  }
0xc: {  	s23 =	sshll.u32 s5, $0xA;
	s5 =	sshll.u32 s5, $0x7;
	s9 =	sadd.s32 s7, s4  }
0xd: {  	s14 =	simm.s32 $0x0;
	s11 =	sshrl.u32 s10, $0x1;
	s13 =	sadd.s32 $0x2800, s9  }
0xe: {  	s7 =	ssub.s32 s10, s11;
	s15 =	sadd.s32 $0x5000, s9;
	[dreg:$0x7] =	wrdreg s13  }
0xf: {  	s17 =	sshrl.u32 s8, $0x3;
	s16 =	sadd.s32 $0x7800, s9;
	[dreg:$0x8] =	wrdreg s15  }
0x10: {  	s11 =	simm.s32 $0x4;
	s18 =	sadd.s32 $0xA000, s9;
	[dreg:$0x9] =	wrdreg s16  }
0x11: {  	s19 =	sadd.s32 $0xA, s17;
	s10 =	sadd.s32 s2, s17;
	[dreg:$0xa] =	wrdreg s18  }
0x12: {  	s28 =	sadd.s32 $0xF000, s9;
	s13 =	sadd.s32 s6, s17;
	[dreg:$0xf] =	wrdreg s10  }
0x13: {  	s29 =	sadd.s32 $0x11800, s9;
	s20 =	sadd.s32 s6, s19;
	[dreg:$0xb] =	wrdreg s13  }
0x14: {  	s16 =	sadd.s32 s0, s12;
	s15 =	sadd.s32 s1, s17;
	[dreg:$0xc] =	wrdreg s20  }
0x15: {  	s12 =	sor.u32 s23, s21;
	s24 =	sadd.s32 s1, s19;
	[dreg:$0xd] =	wrdreg s15  }
0x16: {  	s25 =	sadd.s32 s2, s19;
	s0 =	sshrl.u32 s22, $0x2;
	[dreg:$0xe] =	wrdreg s24  }
0x17: {  	s23 =	smax.u32 s7, $0x1;
	s7 =	simm.s32 $0x1;
	[dreg:$0x10] =	wrdreg s25  }
0x18: {  	s0 =	sadd.s32 s0, s4;
	s26 =	sshrl.u32 s12, $0x3;
	s12 =	simm.s32 $0x2D80  }
0x19: {  	s13 =	simm.s32 $0x5;
	s10 =	sadd.s32 s3, s26;
	s3 =	sadd.s32 s5, s3  }
0x1a: {  	s5 =	sadd.s32 $0x128400, s4;
	s25 =	sshrl.u32 @!p0 s0, $0x3;
	s26 =	sadd.s32 $0xC800, s9  }
0x1b: {  	[dreg:$0x11] =	wrdreg s10;
	s22 =	sadd.s32 $0x4A100, s3;
	s24 =	sshrl.u32 @p0 s5, $0x3  }
0x1c: {  	v0 =	vimm.f32 $0.0e+00;
	s5 =	simm.s32 $0x3;
	s3 =	simm.s32 $0x50;
	s10 =	simm.s32 $0x2  }
.LBB2_1:
0x1d: {  	s0 =	simm.s32 $0x0;
	s15 =	rddreg [dreg:$0x6]  }
0x1e: {  	[tilespmem:s0], [sflag:$0x6] =	stream.linear.gather [hbm4b:s15+s0], $0x2780, $0x38;
	[tilespmem:$0x1E000] =	vst v63  }
0x1f: {  	_ =	swait.ge [sflag:s30], $0x2780  }
0x20: {  	[sflag:s30] =	ssyncset.done $0x0  }
0x21: {  	s17 =	simm.s32 $0x200;
	s15 =	simm.s32 $0x0;
	[sflag:s30] =	ssyncadd.s32 $0xFFFFD880  }
.LBB2_2:
0x22: {  	p1 =	sne.s32 s17, $0x9E00;
	[tilespmem:s15+$0x2FF0] =	vst v0  }
0x23: {  	[tilespmem:s15+$0x2F80] =	vst v0  }
0x24: {  	[tilespmem:s15+$0x2F90] =	vst v0  }
.Ltmp0:
0x25: {  	[tilespmem:s15+$0x2FA0] =	vst v0;
	(pc) =	sbr.rel @p1 .LBB2_2-.Ltmp0, $4  }
0x26: {  	[tilespmem:s15+$0x2FB0] =	vst v0  }
0x27: {  	[tilespmem:s15+$0x2FC0] =	vst v0  }
0x28: {  	[tilespmem:s15+$0x2FD0] =	vst v0  }
0x29: {  	[tilespmem:s15+$0x2FE0] =	vst v0;
	s15 =	sshra.s32 s17, $0x2;
	s17 =	sadd.s32 $0x200, s17  }
0x2a: {  	[tilespmem:s15+$0x2FF0] =	vst v0  }
0x2b: {  	[tilespmem:s15+$0x2F80] =	vst v0  }
0x2c: {  	[tilespmem:s15+$0x2F90] =	vst v0  }
0x2d: {  	[tilespmem:s15+$0x2FA0] =	vst v0  }
0x2e: {  	[tilespmem:s15+$0x2FB0] =	vst v0  }
0x2f: {  	[tilespmem:s15+$0x2FC0] =	vst v0  }
0x30: {  	[tilespmem:s15+$0x2FD0] =	vst v0  }
0x31: {  	[tilespmem:s15+$0x2FE0] =	vst v0  }
0x32: {  	[spmem:s9] =	stream.linear.scatter [tilespmem:s31], [sflag:$0x6], $0x2800, $0x38;
	[tilespmem:$0x1E000] =	vst v63  }
0x33: {  	_ =	swait.ge [sflag:s30], $0x2800  }
0x34: {  	[sflag:s30] =	ssyncset.done $0x0  }
0x35: {  	s0 =	rddreg [dreg:$0x7];
	[sflag:s30] =	ssyncadd.s32 $0xFFFFD800  }
0x36: {  	[spmem:s0] =	stream.linear.scatter [tilespmem:s31], [sflag:$0x6], $0x2800, $0x38;
	[tilespmem:$0x1E000] =	vst v63  }
0x37: {  	_ =	swait.ge [sflag:s30], $0x2800  }
0x38: {  	[sflag:s30] =	ssyncset.done $0x0  }
0x39: {  	s17 =	rddreg [dreg:$0x8];
	[sflag:s30] =	ssyncadd.s32 $0xFFFFD800  }
0x3a: {  	[spmem:s17] =	stream.linear.scatter [tilespmem:s31], [sflag:$0x6], $0x2800, $0x38;
	[tilespmem:$0x1E000] =	vst v63  }
0x3b: {  	_ =	swait.ge [sflag:s30], $0x2800  }
0x3c: {  	[sflag:s30] =	ssyncset.done $0x0  }
0x3d: {  	s18 =	rddreg [dreg:$0x9];
	[sflag:s30] =	ssyncadd.s32 $0xFFFFD800  }
0x3e: {  	[spmem:s18] =	stream.linear.scatter [tilespmem:s31], [sflag:$0x6], $0x2800, $0x38;
	[tilespmem:$0x1E000] =	vst v63  }
0x3f: {  	_ =	swait.ge [sflag:s30], $0x2800  }
0x40: {  	[sflag:s30] =	ssyncset.done $0x0  }
0x41: {  	s19 =	rddreg [dreg:$0xa];
	[sflag:s30] =	ssyncadd.s32 $0xFFFFD800  }
0x42: {  	[spmem:s19] =	stream.linear.scatter [tilespmem:s31], [sflag:$0x6], $0x2800, $0x38;
	[tilespmem:$0x1E000] =	vst v63  }
0x43: {  	_ =	swait.ge [sflag:s30], $0x2800  }
0x44: {  	[sflag:s30] =	ssyncset.done $0x0  }
0x45: {  	[sflag:s30] =	ssyncadd.s32 $0xFFFFD800  }
0x46: {  	[spmem:s26] =	stream.linear.scatter [tilespmem:s31], [sflag:$0x6], $0x2800, $0x38;
	[tilespmem:$0x1E000] =	vst v63  }
0x47: {  	_ =	swait.ge [sflag:s30], $0x2800  }
0x48: {  	[sflag:s30] =	ssyncset.done $0x0  }
0x49: {  	[sflag:s30] =	ssyncadd.s32 $0xFFFFD800  }
0x4a: {  	[spmem:s28] =	stream.linear.scatter [tilespmem:s31], [sflag:$0x6], $0x2800, $0x38;
	[tilespmem:$0x1E000] =	vst v63  }
0x4b: {  	_ =	swait.ge [sflag:s30], $0x2800  }
0x4c: {  	[sflag:s30] =	ssyncset.done $0x0  }
0x4d: {  	[sflag:s30] =	ssyncadd.s32 $0xFFFFD800  }
0x4e: {  	[spmem:s29] =	stream.linear.scatter [tilespmem:s31], [sflag:$0x6], $0x2080, $0x38;
	[tilespmem:$0x1E000] =	vst v63  }
0x4f: {  	_ =	swait.ge [sflag:s30], $0x2080  }
0x50: {  	[sflag:s30] =	ssyncset.done $0x0  }
0x51: {  	[sflag:s30] =	ssyncadd.s32 $0xFFFFDF80  }
0x52: {  	[bflag:$0x0] =	sbarrier.arrive $0xFFFF  }
0x53: {  	s15 =	simm.s32 $0x2780;
	s17 =	simm.s32 $0x0;
	s20 =	rddreg [dreg:$0xb]  }
0x54: {  	[tilespmem:s15], [sflag:$0x3] =	stream.linear.gather [hbm4b:s20+s17], $0x50, $0x38;
	[tilespmem:$0x1E000] =	vst v63  }
0x55: {  	s18 =	simm.s32 $0x2800;
	s21 =	rddreg [dreg:$0xc]  }
0x56: {  	[tilespmem:s18], [sflag:$0x3] =	stream.linear.gather [hbm4b:s21+s17], $0x50, $0x38;
	[tilespmem:$0x1E000] =	vst v63  }
0x57: {  	s19 =	simm.s32 $0x2980;
	s18 =	rddreg [dreg:$0xd]  }
0x58: {  	[tilespmem:s19], [sflag:$0x2] =	stream.linear.gather [hbm4b:s18+s17], $0x50, $0x38;
	[tilespmem:$0x1E000] =	vst v63  }
0x59: {  	s20 =	rddreg [dreg:$0xe];
	s21 =	simm.s32 $0x2A00  }
0x5a: {  	[tilespmem:s21], [sflag:$0x2] =	stream.linear.gather [hbm4b:s20+s17], $0x50, $0x38;
	[tilespmem:$0x1E000] =	vst v63  }
0x5b: {  	s18 =	rddreg [dreg:$0xf];
	s19 =	simm.s32 $0x2B80  }
0x5c: {  	[tilespmem:s19], [sflag:$0x4] =	stream.linear.gather [hbm4b:s18+s17], $0x50, $0x38;
	[tilespmem:$0x1E000] =	vst v63  }
0x5d: {  	s20 =	rddreg [dreg:$0x10];
	s21 =	simm.s32 $0x2C00  }
0x5e: {  	[tilespmem:s21], [sflag:$0x4] =	stream.linear.gather [hbm4b:s20+s17], $0x50, $0x38;
	[tilespmem:$0x1E000] =	vst v63  }
0x5f: {  	_ =	swait.ge [sflag:s5], $0x50  }
0x60: {  	[sflag:s5] =	ssyncset.done $0x0  }
0x61: {  	[sflag:s5] =	ssyncadd.s32 $0xFFFFFFB0  }
0x62: {  	[tilespmem:s31], [sflag:$0x1] =	stream.indirect.gather [hbm4b:s16+s3], $0x80, s15, s3, $0xb8;
	[tilespmem:$0x1E000] =	vst v63  }
.LBB2_4:
0x63: {  	p1 =	slt.u32 s17, $0x2  }
0x64: {  	p2 =	seq.s32 @!p1 s17, $0x7C  }
0x65: {  	p2 =	por p1, !p2  }
.Ltmp1:
0x66: {  	_ = 	snop;
	(pc) =	sbr.rel @!p2 .LBB2_6-.Ltmp1, $4  }
0x67: {  	s0 =	simm.s32 @!p1 $0x5  }
0x68: {  	_ =	swait.ge @!p1 [sflag:s0], $0x2800  }
0x69: {  	[sflag:s0] =	ssyncset.done @!p1 $0x0  }
0x6a: {  	s15 =	simm.s32 @!p1 $0x7D;
	[sflag:s0] =	ssyncadd.s32 @!p1 $0xFFFFD800  }
0x6b: {  	s15 =	sadd.s32 $0x1, s17  }
0x6c: {  	s0 =	smul.u32 $0xAB, s15;
	_ =	sdelay $0x1  }
0x6d: {  	s0 =	sshrl.u32 s0, $0x9  }
0x6e: {  	s0 =	sand.u32 $0x7F, s0  }
0x6f: {  	s0 =	smul.u32 $0x3, s0;
	_ =	sdelay $0x1  }
0x70: {  	s0 =	ssub.s32 s15, s0  }
0x71: {  	s0 =	sand.u32 $0xFF, s0  }
0x72: {  	_ =	swait.ge [sflag:s5], $0x50;
	s18 =	sshll.u32 s0, $0x7;
	s0 =	smul.u32 $0xA000, s0  }
0x73: {  	p1 =	sgt.u32 s17, $0x7A;
	[sflag:s5] =	ssyncset.done $0x0  }
0x74: {  	s19 =	sadd.s32 @!p1 $0x2, s17;
	[sflag:s5] =	ssyncadd.s32 $0xFFFFFFB0;
	s0 =	sshrl.u32 s0, $0x2  }
0x75: {  	s20 =	smul.u32 @!p1 $0xAB, s19;
	s18 =	sadd.s32 $0x2780, s18;
	s0 =	sadd.s32 $0x2F80, s0  }
0x76: {  	[tilespmem:s0], [sflag:$0x1] =	stream.indirect.gather [hbm4b:s16+s3], $0x80, s18, s3, $0xb8;
	[tilespmem:$0x1E000] =	vst v63  }
0x77: {  	s0 =	sshrl.u32 @!p1 s20, $0x9  }
0x78: {  	s0 =	sand.u32 @!p1 $0x7F, s0  }
0x79: {  	s0 =	smul.u32 @!p1 $0x3, s0  }
0x7a: {  	s18 =	smul.u32 @!p1 $0x50, s19  }
0x7b: {  	s0 =	ssub.s32 @!p1 s19, s0  }
0x7c: {  	s18 =	sadd.s32 @!p1 s8, s18;
	s0 =	sand.u32 @!p1 $0xFF, s0  }
0x7d: {  	s18 =	sshrl.u32 @!p1 s18, $0x3;
	s0 =	sshll.u32 @!p1 s0, $0x7  }
0x7e: {  	s21 =	simm.s32 @!p1 $0x0;
	s20 =	sadd.s32 @!p1 s6, s18;
	s19 =	sadd.s32 @!p1 $0x2780, s0  }
0x7f: {  	[tilespmem:s19], [sflag:$0x3] =	stream.linear.gather @!p1 [hbm4b:s20+s21], $0x50, $0x38;
	[tilespmem:$0x1E000] =	vst v63  }
0x80: {  	s19 =	sadd.s32 @!p1 $0x2980, s0;
	s20 =	sadd.s32 @!p1 s1, s18  }
0x81: {  	[tilespmem:s19], [sflag:$0x2] =	stream.linear.gather @!p1 [hbm4b:s20+s21], $0x50, $0x38;
	[tilespmem:$0x1E000] =	vst v63  }
0x82: {  	s15 =	simm.s32 @p1 $0x7C;
	s0 =	sadd.s32 @!p1 $0x2B80, s0;
	s18 =	sadd.s32 @!p1 s2, s18  }
0x83: {  	[tilespmem:s0], [sflag:$0x4] =	stream.linear.gather @!p1 [hbm4b:s18+s21], $0x50, $0x38;
	[tilespmem:$0x1E000] =	vst v63  }
.LBB2_6:
0x84: {  	_ =	swait.ge [sflag:s7], $0x2800;
	s0 =	sand.u32 $0xFF, s17  }
0x85: {  	[sflag:s7] =	ssyncset.done $0x0;
	s0 =	smul.u32 $0xAB, s0  }
0x86: {  	[sflag:s7] =	ssyncadd.s32 $0xFFFFD800  }
0x87: {  	s0 =	sshrl.u32 s0, $0x9;
	_ =	swait.ge [sflag:s10], $0x50  }
0x88: {  	s0 =	smul.u32 $0x3, s0;
	[sflag:s10] =	ssyncset.done $0x0  }
0x89: {  	[sflag:s10] =	ssyncadd.s32 $0xFFFFFFB0  }
0x8a: {  	s0 =	ssub.s32 s17, s0;
	_ =	swait.ge [sflag:s11], $0x50  }
0x8b: {  	s0 =	sand.u32 $0xFF, s0;
	[sflag:s11] =	ssyncset.done $0x0  }
0x8c: {  	s17 =	sshll.u32 s0, $0x7;
	[sflag:s11] =	ssyncadd.s32 $0xFFFFFFB0  }
0x8d: {  	v1 =	vld [tilespmem:s17+$0x2980];
	_ =	sdelay $0x5  }
0x8e: {  	v2 =	vld [tilespmem:s17+$0x2990]  }
0x8f: {  	s18 =	simm.s32 $0x0  }
0x90: {  	v1 =	vld.idx.msk [tilespmem:v1+s18+$0x0], $0xffff;
	_ =	sdelay $0x3  }
0x91: {  	v3 =	vld [tilespmem:s17+$0x29A0]  }
0x92: {  	[tilespmem:s17+$0x2D80] =	vst v1  }
0x93: {  	v1 =	vld.idx.msk [tilespmem:v2+s18+$0x0], $0xffff;
	_ =	sdelay $0x3  }
0x94: {  	v2 =	vld [tilespmem:s17+$0x29B0]  }
0x95: {  	[tilespmem:s17+$0x2D90] =	vst v1  }
0x96: {  	v1 =	vld.idx.msk [tilespmem:v3+s18+$0x0], $0xffff;
	_ =	sdelay $0x3  }
0x97: {  	v3 =	vld [tilespmem:s17+$0x29C0]  }
0x98: {  	[tilespmem:s17+$0x2DA0] =	vst v1  }
0x99: {  	v1 =	vld.idx.msk [tilespmem:v2+s18+$0x0], $0xffff;
	_ =	sdelay $0x2  }
0x9a: {  	v4 =	vmov s18  }
0x9b: {  	v4 =	vand.u32 $0x7C, v4;
	v2 =	vmov s17  }
0x9c: {  	s19 =	simm.s32 $0x3;
	[tilespmem:s17+$0x2DB0] =	vst v1;
	v1 =	vor.u32 v2, v4  }
0x9d: {  	v5 =	vmov s19;
	v3 =	vld.idx.msk [tilespmem:v3+s18+$0x0], $0xffff;
	v1 =	vbroadcast v1, $0x0  }
0x9e: {  	v4 =	vand.u32 $0x7F, v5  }
0x9f: {  	v4 =	vor.u32 v2, v4  }
0xa0: {  	s0 =	smul.u32 $0xA000, s0;
	v4 =	vbroadcast v4, $0x0;
	_ =	sdelay $0x1  }
0xa1: {  	s18 =	sshrl.u32 s0, $0x2;
	[tilespmem:s17+$0x2DC0] =	vst v3  }
0xa2: {  	s19 =	sadd.s32 $0x3080, s18;
	v3 =	vld.idx.msk [tilespmem:v1+s12+$0x0], $0xffff  }
0xa3: {  	s21 =	simm.s32 $0x1;
	v6 =	vld [tilespmem:s19+$0xFFFFFF00]  }
0xa4: {  	v5 =	vmov s21;
	v7 =	vld [tilespmem:s19+$0xFFFFFF10]  }
0xa5: {  	v1 =	vld.idx.msk [tilespmem:v4+s12+$0x0], $0xffff;
	v4 =	vand.u32 $0x7D, v5  }
0xa6: {  	v8 =	vld [tilespmem:s19+$0xFFFFFF20];
	v4 =	vor.u32 v2, v4  }
0xa7: {  	v9 =	vld [tilespmem:s19+$0xFFFFFF30];
	v4 =	vbroadcast v4, $0x0  }
0xa8: {  	v5 =	vld [tilespmem:s19+$0xF0]  }
0xa9: {  	v10 =	vld [tilespmem:s19+$0xFFFFFF40]  }
0xaa: {  	v11 =	vld [tilespmem:s19+$0xFFFFFF50];
	v6 =	vmul.f32 v6, v3  }
0xab: {  	v12 =	vld [tilespmem:s19+$0xFFFFFF60]  }
0xac: {  	s20 =	simm.s32 $0x2;
	v7 =	vmul.f32 v7, v3;
	[tilespmem:s19+$0xFFFFFF00] =	vst v6;
	v6 =	vld [tilespmem:s19+$0xFFFFFF70]  }
0xad: {  	v13 =	vmov s20;
	v5 =	vmul.f32 v5, v1;
	v14 =	vld.idx.msk [tilespmem:v4+s12+$0x0], $0xffff  }
0xae: {  	[tilespmem:s19+$0xFFFFFF10] =	vst v7;
	v7 =	vmul.f32 v9, v3;
	v4 =	vand.u32 $0x7E, v13;
	v13 =	vld [tilespmem:s19+$0xFFFFFF80]  }
0xaf: {  	v9 =	vld [tilespmem:s19+$0xFFFFFFA0];
	[tilespmem:s19+$0xF0] =	vst v5;
	v5 =	vmul.f32 v8, v3;
	v4 =	vor.u32 v2, v4  }
0xb0: {  	v8 =	vld [tilespmem:s19+$0xFFFFFF90];
	[tilespmem:s19+$0xFFFFFF30] =	vst v7;
	v7 =	vmul.f32 v11, v3;
	v4 =	vbroadcast v4, $0x0  }
0xb1: {  	v11 =	vld [tilespmem:s19+$0xFFFFFFC0];
	[tilespmem:s19+$0xFFFFFF20] =	vst v5;
	v5 =	vmul.f32 v10, v3  }
0xb2: {  	[tilespmem:s19+$0xFFFFFF50] =	vst v7;
	v7 =	vld [tilespmem:s19+$0xFFFFFFE0];
	v6 =	vmul.f32 v6, v3  }
0xb3: {  	v10 =	vld [tilespmem:s19+$0xFFFFFFB0];
	[tilespmem:s19+$0xFFFFFF40] =	vst v5;
	v5 =	vmul.f32 v13, v14  }
0xb4: {  	v12 =	vmul.f32 v12, v3;
	v13 =	vld [tilespmem:s19+$0xFFFFFFD0];
	[tilespmem:s19+$0xFFFFFF70] =	vst v6  }
0xb5: {  	v6 =	vld [tilespmem:s19+$0x0];
	[tilespmem:s19+$0xFFFFFF80] =	vst v5;
	v5 =	vmul.f32 v9, v14  }
0xb6: {  	[tilespmem:s19+$0xFFFFFF60] =	vst v12;
	v3 =	vld.idx.msk [tilespmem:v4+s12+$0x0], $0xffff;
	v4 =	vmul.f32 v8, v14  }
0xb7: {  	v7 =	vmul.f32 v7, v14;
	v8 =	vld [tilespmem:s19+$0xFFFFFFF0];
	[tilespmem:s19+$0xFFFFFFA0] =	vst v5  }
0xb8: {  	v9 =	vld [tilespmem:s19+$0x10];
	[tilespmem:s19+$0xFFFFFF90] =	vst v4;
	v4 =	vmul.f32 v10, v14  }
0xb9: {  	s21 =	simm.s32 $0x4;
	v5 =	vmul.f32 v11, v14;
	[tilespmem:s19+$0xFFFFFFE0] =	vst v7;
	v10 =	vld [tilespmem:s19+$0x20];
	v11 =	vmul.f32 v13, v14  }
0xba: {  	v15 =	vld [tilespmem:s19+$0x30];
	v12 =	vmov s21;
	[tilespmem:s19+$0xFFFFFFB0] =	vst v4  }
0xbb: {  	v12 =	vand.u32 $0x7C, v12;
	v4 =	vld [tilespmem:s19+$0x40];
	[tilespmem:s19+$0xFFFFFFD0] =	vst v11;
	v11 =	vmul.f32 v6, v3  }
0xbc: {  	s20 =	simm.s32 $0x5;
	v7 =	vor.u32 v2, v12;
	[tilespmem:s19+$0xFFFFFFC0] =	vst v5;
	v5 =	vld [tilespmem:s19+$0x50];
	v8 =	vmul.f32 v8, v14  }
0xbd: {  	s21 =	simm.s32 $0x6;
	v13 =	vmov s20;
	v7 =	vbroadcast v7, $0x0;
	v6 =	vld [tilespmem:s19+$0x60];
	v9 =	vmul.f32 v9, v3;
	[tilespmem:s19+$0x0] =	vst v11  }
0xbe: {  	s0 =	simm.s32 $0x7;
	v13 =	vand.u32 $0x7D, v13;
	v11 =	vmov s21;
	[tilespmem:s19+$0xFFFFFFF0] =	vst v8;
	v10 =	vmul.f32 v10, v3;
	v8 =	vld [tilespmem:s19+$0x70]  }
0xbf: {  	s18 =	sadd.s32 $0x2F80, s18;
	s20 =	smov.u32 s19;
	v13 =	vor.u32 v2, v13;
	s21 =	simm.s32 $0x8;
	[tilespmem:s19+$0x10] =	vst v9;
	v9 =	vld [tilespmem:s19+$0x80];
	v12 =	vand.u32 $0x7E, v11;
	v11 =	vmul.f32 v15, v3  }
.LBB2_7:
0xc0: {  	p1 =	slt.u32 s21, $0x4C;
	v12 =	vor.u32 v2, v12;
	v14 =	vmov s0;
	[tilespmem:s19+$0x20] =	vst v10;
	v4 =	vmul.f32 v4, v3;
	v10 =	vld [tilespmem:s19+$0x90]  }
0xc1: {  	v13 =	vbroadcast v13, $0x0;
	v14 =	vand.u32 $0x7F, v14;
	[tilespmem:s19+$0x30] =	vst v11;
	v5 =	vmul.f32 v5, v3;
	v11 =	vld [tilespmem:s19+$0xA0]  }
0xc2: {  	v12 =	vbroadcast v12, $0x0;
	v14 =	vor.u32 v2, v14;
	[tilespmem:s19+$0x40] =	vst v4;
	v4 =	vmul.f32 v6, v3;
	v6 =	vld [tilespmem:s19+$0xB0]  }
0xc3: {  	v14 =	vbroadcast v14, $0x0;
	[tilespmem:s19+$0x50] =	vst v5;
	v3 =	vmul.f32 v8, v3;
	v5 =	vld [tilespmem:s19+$0xC0]  }
0xc4: {  	[tilespmem:s19+$0x60] =	vst v4;
	v4 =	vmul.f32 v9, v1;
	v8 =	vld [tilespmem:s19+$0xD0]  }
0xc5: {  	[tilespmem:s19+$0x70] =	vst v3;
	v3 =	vmul.f32 v10, v1;
	v9 =	vld [tilespmem:s19+$0xE0]  }
0xc6: {  	v7 =	vld.idx.msk [tilespmem:v7+s12+$0x0], $0xffff;
	[tilespmem:s19+$0x80] =	vst v4;
	v4 =	vmul.f32 v11, v1  }
0xc7: {  	v10 =	vld.idx.msk [tilespmem:v13+s12+$0x0], $0xffff;
	[tilespmem:s19+$0x90] =	vst v3;
	v6 =	vmul.f32 v6, v1  }
0xc8: {  	v3 =	vld.idx.msk [tilespmem:v12+s12+$0x0], $0xffff;
	[tilespmem:s19+$0xA0] =	vst v4;
	v4 =	vmul.f32 v5, v1  }
0xc9: {  	s19 =	sadd.s32 $0x200, s19;
	v5 =	vld.idx.msk [tilespmem:v14+s12+$0x0], $0xffff;
	[tilespmem:s20+$0xB0] =	vst v6;
	v6 =	vmul.f32 v8, v1  }
0xca: {  	v8 =	vld [tilespmem:s19+$0xF0];
	[tilespmem:s20+$0xC0] =	vst v4;
	v1 =	vmul.f32 v9, v1  }
0xcb: {  	v4 =	vld [tilespmem:s19+$0xFFFFFF00];
	[tilespmem:s20+$0xD0] =	vst v6  }
0xcc: {  	v6 =	vld [tilespmem:s19+$0xFFFFFF10];
	[tilespmem:s20+$0xE0] =	vst v1;
	s20 =	smov.u32 s19  }
0xcd: {  	v9 =	vld [tilespmem:s19+$0xFFFFFF20]  }
0xce: {  	v11 =	vld [tilespmem:s19+$0xFFFFFF30]  }
0xcf: {  	v1 =	vmov v5;
	v12 =	vld [tilespmem:s19+$0xFFFFFF40];
	v8 =	vmul.f32 v8, v5  }
0xd0: {  	v4 =	vmul.f32 v4, v7;
	v5 =	vld [tilespmem:s19+$0xFFFFFF50]  }
0xd1: {  	v6 =	vmul.f32 v6, v7;
	v13 =	vld [tilespmem:s19+$0xFFFFFF60];
	[tilespmem:s19+$0xF0] =	vst v8  }
0xd2: {  	[tilespmem:s19+$0xFFFFFF00] =	vst v4;
	v4 =	vmul.f32 v9, v7;
	v8 =	vld [tilespmem:s19+$0xFFFFFF70]  }
0xd3: {  	[tilespmem:s19+$0xFFFFFF10] =	vst v6;
	v6 =	vmul.f32 v11, v7;
	v9 =	vld [tilespmem:s19+$0xFFFFFF80]  }
0xd4: {  	[tilespmem:s19+$0xFFFFFF20] =	vst v4;
	v4 =	vmul.f32 v12, v7;
	v11 =	vld [tilespmem:s19+$0xFFFFFF90]  }
0xd5: {  	[tilespmem:s19+$0xFFFFFF30] =	vst v6;
	v5 =	vmul.f32 v5, v7;
	v6 =	vld [tilespmem:s19+$0xFFFFFFA0]  }
0xd6: {  	[tilespmem:s19+$0xFFFFFF40] =	vst v4;
	v4 =	vmul.f32 v13, v7;
	v12 =	vld [tilespmem:s19+$0xFFFFFFB0]  }
0xd7: {  	[tilespmem:s19+$0xFFFFFF50] =	vst v5;
	v5 =	vmul.f32 v8, v7;
	v7 =	vld [tilespmem:s19+$0xFFFFFFC0]  }
0xd8: {  	[tilespmem:s19+$0xFFFFFF60] =	vst v4;
	v4 =	vmul.f32 v9, v10;
	v8 =	vld [tilespmem:s19+$0xFFFFFFD0]  }
0xd9: {  	[tilespmem:s19+$0xFFFFFF70] =	vst v5;
	v5 =	vmul.f32 v11, v10;
	v9 =	vld [tilespmem:s19+$0xFFFFFFE0]  }
0xda: {  	[tilespmem:s19+$0xFFFFFF80] =	vst v4;
	v4 =	vmul.f32 v6, v10;
	v6 =	vld [tilespmem:s19+$0xFFFFFFF0]  }
0xdb: {  	[tilespmem:s19+$0xFFFFFF90] =	vst v5;
	v5 =	vmul.f32 v12, v10;
	v11 =	vld [tilespmem:s19+$0x0]  }
0xdc: {  	[tilespmem:s19+$0xFFFFFFA0] =	vst v4;
	v4 =	vmul.f32 v7, v10;
	v7 =	vld [tilespmem:s19+$0x10]  }
0xdd: {  	[tilespmem:s19+$0xFFFFFFB0] =	vst v5;
	v5 =	vmul.f32 v8, v10;
	v8 =	vld [tilespmem:s19+$0x20]  }
0xde: {  	[tilespmem:s19+$0xFFFFFFC0] =	vst v4;
	v9 =	vmul.f32 v9, v10;
	v14 =	vld [tilespmem:s19+$0x30]  }
.Ltmp2:
0xdf: {  	s0 =	sadd.s32 $0x1, s21;
	v12 =	vmov s21;
	[tilespmem:s19+$0xFFFFFFD0] =	vst v5;
	v6 =	vmul.f32 v6, v10;
	v4 =	vld [tilespmem:s19+$0x40];
	(pc) =	sbr.rel @p1 .LBB2_7-.Ltmp2, $4  }
0xe0: {  	v10 =	vand.u32 $0x7C, v12;
	v12 =	vmov s0;
	s0 =	sadd.s32 $0x2, s21;
	[tilespmem:s19+$0xFFFFFFE0] =	vst v9;
	v9 =	vmul.f32 v11, v3;
	v5 =	vld [tilespmem:s19+$0x50]  }
0xe1: {  	v11 =	vor.u32 v2, v10;
	v10 =	vmov s0;
	[tilespmem:s19+$0xFFFFFFF0] =	vst v6;
	v15 =	vmul.f32 v7, v3;
	v6 =	vld [tilespmem:s19+$0x60]  }
0xe2: {  	v13 =	vand.u32 $0x7D, v12;
	v12 =	vand.u32 $0x7E, v10;
	[tilespmem:s19+$0x0] =	vst v9;
	v10 =	vmul.f32 v8, v3;
	v8 =	vld [tilespmem:s19+$0x70]  }
0xe3: {  	s0 =	sadd.s32 $0x3, s21;
	s21 =	sadd.s32 $0x4, s21;
	v7 =	vbroadcast v11, $0x0;
	v13 =	vor.u32 v2, v13;
	[tilespmem:s19+$0x10] =	vst v15;
	v11 =	vmul.f32 v14, v3;
	v9 =	vld [tilespmem:s19+$0x80]  }
0xe4: {  	v15 =	vld [tilespmem:s19+$0x90]  }
0xe5: {  	v16 =	vld [tilespmem:s19+$0xA0]  }
0xe6: {  	v21 =	vld [tilespmem:s19+$0xB0]  }
0xe7: {  	v17 =	vld [tilespmem:s19+$0xC0]  }
0xe8: {  	[tilespmem:s19+$0x20] =	vst v10;
	v4 =	vmul.f32 v4, v3;
	v22 =	vld [tilespmem:s19+$0xD0]  }
0xe9: {  	v23 =	vld [tilespmem:s19+$0xE0];
	[tilespmem:s19+$0x30] =	vst v11;
	v5 =	vmul.f32 v5, v3  }
0xea: {  	s21 =	sadd.s32 $0x200, s19;
	v25 =	vld.idx.msk [tilespmem:v7+s12+$0x0], $0xffff;
	[tilespmem:s19+$0x40] =	vst v4;
	v24 =	vmul.f32 v6, v3  }
0xeb: {  	v30 =	vld [tilespmem:s21+$0xF0];
	[tilespmem:s19+$0x50] =	vst v5;
	v3 =	vmul.f32 v8, v3  }
0xec: {  	v31 =	vld [tilespmem:s21+$0xFFFFFF00];
	[tilespmem:s19+$0x60] =	vst v24;
	v27 =	vmul.f32 v9, v1  }
0xed: {  	v14 =	vmov s0;
	v33 =	vld [tilespmem:s21+$0xFFFFFF10];
	[tilespmem:s19+$0x70] =	vst v3;
	v3 =	vmul.f32 v15, v1  }
0xee: {  	v14 =	vand.u32 $0x7F, v14;
	v34 =	vld [tilespmem:s21+$0xFFFFFF20];
	v29 =	vmul.f32 v16, v1;
	[tilespmem:s19+$0x80] =	vst v27  }
0xef: {  	v12 =	vor.u32 v2, v12;
	v35 =	vld [tilespmem:s21+$0xFFFFFF30];
	v2 =	vor.u32 v2, v14;
	[tilespmem:s19+$0x90] =	vst v3;
	v3 =	vmul.f32 v21, v1  }
0xf0: {  	v36 =	vld [tilespmem:s21+$0xFFFFFF50];
	v2 =	vbroadcast v2, $0x0;
	v32 =	vmul.f32 v17, v1;
	[tilespmem:s19+$0xA0] =	vst v29  }
0xf1: {  	v13 =	vbroadcast v13, $0x0;
	v38 =	vld [tilespmem:s21+$0xFFFFFF60];
	[tilespmem:s20+$0xB0] =	vst v3;
	v3 =	vmul.f32 v22, v1  }
0xf2: {  	v39 =	vld [tilespmem:s21+$0xFFFFFF70];
	[tilespmem:s20+$0xC0] =	vst v32;
	v1 =	vmul.f32 v23, v1  }
0xf3: {  	v37 =	vmul.f32 v33, v25;
	[tilespmem:s20+$0xD0] =	vst v3;
	v3 =	vld [tilespmem:s21+$0xFFFFFF40]  }
0xf4: {  	v40 =	vld [tilespmem:s21+$0xFFFFFF80];
	[tilespmem:s20+$0xE0] =	vst v1;
	v1 =	vmul.f32 v31, v25  }
0xf5: {  	v42 =	vld [tilespmem:s21+$0xFFFFFFA0];
	v4 =	vmul.f32 v35, v25;
	[tilespmem:s21+$0xFFFFFF10] =	vst v37  }
0xf6: {  	v2 =	vld.idx.msk [tilespmem:v2+s12+$0x0], $0xffff;
	[tilespmem:s21+$0xFFFFFF00] =	vst v1;
	v1 =	vmul.f32 v34, v25  }
0xf7: {  	v26 =	vld.idx.msk [tilespmem:v13+s12+$0x0], $0xffff;
	v41 =	vmul.f32 v36, v25;
	[tilespmem:s21+$0xFFFFFF30] =	vst v4  }
0xf8: {  	[tilespmem:s21+$0xFFFFFF20] =	vst v1;
	v1 =	vmul.f32 v3, v25;
	v3 =	vld [tilespmem:s21+$0xFFFFFF90]  }
0xf9: {  	v12 =	vbroadcast v12, $0x0;
	v43 =	vld [tilespmem:s21+$0xFFFFFFB0];
	v44 =	vmul.f32 v39, v25;
	[tilespmem:s21+$0xFFFFFF50] =	vst v41  }
0xfa: {  	v45 =	vld [tilespmem:s21+$0xFFFFFFC0];
	[tilespmem:s21+$0xFFFFFF40] =	vst v1;
	v1 =	vmul.f32 v38, v25  }
0xfb: {  	v46 =	vld [tilespmem:s21+$0xFFFFFFD0];
	[tilespmem:s21+$0xFFFFFF70] =	vst v44;
	v8 =	vmul.f32 v30, v2  }
0xfc: {  	v47 =	vld [tilespmem:s21+$0xFFFFFFE0];
	[tilespmem:s21+$0xFFFFFF60] =	vst v1;
	v1 =	vmul.f32 v40, v26  }
0xfd: {  	v48 =	vld [tilespmem:s21+$0xFFFFFFF0];
	[tilespmem:s21+$0xF0] =	vst v8;
	v3 =	vmul.f32 v3, v26  }
0xfe: {  	v49 =	vld [tilespmem:s21+$0x0];
	[tilespmem:s21+$0xFFFFFF80] =	vst v1;
	v1 =	vmul.f32 v42, v26  }
0xff: {  	v28 =	vld.idx.msk [tilespmem:v12+s12+$0x0], $0xffff;
	[tilespmem:s21+$0xFFFFFF90] =	vst v3;
	v3 =	vmul.f32 v43, v26  }
0x100: {  	v50 =	vld [tilespmem:s21+$0x10];
	[tilespmem:s21+$0xFFFFFFA0] =	vst v1;
	v1 =	vmul.f32 v45, v26  }
0x101: {  	v51 =	vld [tilespmem:s21+$0x20];
	[tilespmem:s21+$0xFFFFFFB0] =	vst v3;
	v3 =	vmul.f32 v46, v26  }
0x102: {  	v52 =	vld [tilespmem:s21+$0x30];
	[tilespmem:s21+$0xFFFFFFC0] =	vst v1;
	v1 =	vmul.f32 v47, v26  }
0x103: {  	v53 =	vld [tilespmem:s21+$0x40];
	[tilespmem:s21+$0xFFFFFFD0] =	vst v3;
	v3 =	vmul.f32 v48, v26  }
0x104: {  	v54 =	vld [tilespmem:s21+$0x50];
	[tilespmem:s21+$0xFFFFFFE0] =	vst v1;
	v1 =	vmul.f32 v49, v28  }
0x105: {  	v55 =	vld [tilespmem:s21+$0x60];
	[tilespmem:s21+$0xFFFFFFF0] =	vst v3;
	v3 =	vmul.f32 v50, v28  }
0x106: {  	v56 =	vld [tilespmem:s21+$0x70];
	[tilespmem:s21+$0x0] =	vst v1;
	v1 =	vmul.f32 v51, v28  }
0x107: {  	v57 =	vld [tilespmem:s21+$0x80];
	[tilespmem:s21+$0x10] =	vst v3;
	v3 =	vmul.f32 v52, v28  }
0x108: {  	v58 =	vld [tilespmem:s21+$0x90];
	[tilespmem:s21+$0x20] =	vst v1;
	v1 =	vmul.f32 v53, v28  }
0x109: {  	v59 =	vld [tilespmem:s21+$0xA0];
	[tilespmem:s21+$0x30] =	vst v3;
	v3 =	vmul.f32 v54, v28  }
0x10a: {  	v60 =	vld [tilespmem:s21+$0xB0];
	[tilespmem:s21+$0x40] =	vst v1;
	v1 =	vmul.f32 v55, v28  }
0x10b: {  	v61 =	vld [tilespmem:s21+$0xC0];
	[tilespmem:s21+$0x50] =	vst v3;
	v3 =	vmul.f32 v56, v28  }
0x10c: {  	v62 =	vld [tilespmem:s21+$0xD0];
	[tilespmem:s21+$0x60] =	vst v1;
	v1 =	vmul.f32 v57, v2  }
0x10d: {  	v63 =	vld [tilespmem:s21+$0xE0];
	[tilespmem:s21+$0x70] =	vst v3;
	v3 =	vmul.f32 v58, v2  }
0x10e: {  	[tilespmem:s21+$0x80] =	vst v1;
	v1 =	vmul.f32 v59, v2  }
0x10f: {  	[tilespmem:s21+$0x90] =	vst v3;
	v3 =	vmul.f32 v60, v2  }
0x110: {  	p1 =	slt.u32 s15, $0x7D;
	[tilespmem:s21+$0xA0] =	vst v1;
	v1 =	vmul.f32 v61, v2  }
.Ltmp3:
0x111: {  	[tilespmem:s21+$0xB0] =	vst v3;
	v3 =	vmul.f32 v62, v2;
	(pc) =	sbr.rel @p1 .LBB2_4-.Ltmp3, $4  }
0x112: {  	[tilespmem:s21+$0xC0] =	vst v1;
	v1 =	vmul.f32 v63, v2  }
0x113: {  	[tilespmem:s21+$0xD0] =	vst v3  }
0x114: {  	[tilespmem:s21+$0xE0] =	vst v1;
	s21 =	sadd.s32 $0x2B80, s17;
	s17 =	smov.u32 s15  }
0x115: {  	[spmem:s4] =	stream.indirect.scatter.add.f32 [tilespmem:s18], [sflag:$0x5], $0x80, s21, s3, $0xb8;
	[tilespmem:$0x1E000] =	vst v63  }
0x116: {  	_ =	swait.ge [sflag:s13], $0x2800  }
0x117: {  	[sflag:s13] =	ssyncset.done $0x0  }
0x118: {  	[sflag:s13] =	ssyncadd.s32 $0xFFFFD800  }
0x119: {  	_ =	swait.ge [sflag:s13], $0x2800  }
0x11a: {  	s0 =	simm.s32 @p0 $0x8;
	[sflag:s13] =	ssyncset.done $0x0  }
0x11b: {  	s15 =	simm.s32 @p0 $0x100;
	s17 =	simm.s32 @p0 $0x80;
	[sflag:s13] =	ssyncadd.s32 $0xFFFFD800  }
0x11c: {  	s18 =	simm.s32 @p0 $0x1FC6;
	s14 =	sadd.s32 $0x1, s14;
	[bflag:$0x0] =	sbarrier.arrive $0xFFFF  }
0x11d: {  	[hbm:s22@s15], [sflag:s18] =	dma.strided @p0 [spmem:s24@s17], $0x2080, s0, $0x10   }
0x11e: {  	p1 =	sne.s32 s14, s23;
	s0 =	simm.s32 @p0 $0x6;
	s15 =	stileid.u32  }
0x11f: {  	s17 =	simm.s32 @!p0 $0x100;
	s18 =	simm.s32 @!p0 $0x80;
	_ =	swait.ge @p0 [sflag:s0], $0x2080  }
0x120: {  	s15 =	sshll.u32 @!p0 s15, $0x6;
	[sflag:s0] =	ssyncset.done @p0 $0x0;
	s19 =	rddreg [dreg:$0x11]  }
0x121: {  	[sflag:s0] =	ssyncadd.s32 @p0 $0xFFFFDF80;
	s0 =	sor.u32 @!p0 $0x1C06, s15;
	s15 =	simm.s32 @!p0 $0x8  }
0x122: {  	[hbm:s19@s17], [sflag:s0] =	dma.strided @!p0 [spmem:s25@s18], $0x2780, s15, $0x10   }
.Ltmp4:
0x123: {  	_ = 	snop;
	(pc) =	sbr.rel @p1 .LBB2_1-.Ltmp4, $4  }
0x124: {  	s0 =	simm.s32 @!p0 $0x6  }
0x125: {  	_ =	swait.ge @!p0 [sflag:s0], $0x2780  }
0x126: {  	[sflag:s0] =	ssyncset.done @!p0 $0x0  }
0x127: {  	[sflag:s0] =	ssyncadd.s32 @!p0 $0xFFFFD880  }
0x128: {  	_ =	sfence.sel $0x180000  }
0x129: {  	[bflag:$0x0] =	sbarrier.arrive $0xFFFF  }
0x12a: {  	_ =	strace $0x90000047  }
0x12b: {  	s0 =	stileid.u32;
	[bflag:$0x2] =	sbarrier.arrive $0xFFFF  }
0x12c: {  	p0 =	sne.s32 s0, $0x0;
	s0 =	rddreg [dreg:$0x5]  }
0x12d: {  	s0 =	sadd.s32 @!p0 $0x100000, s0  }
0x12e: {  	[sflag:s0] =	ssyncadd.tile.s32 @!p0 $0x1;
	_ =	shalt  }
.Lfunc_end2:
_tile_overlayer_lowered:
.L_overlay_start_2:
0x12f: {  	(tag) =	ssettag $0x2  }
0x130: {  	s0 =	rddreg [dreg:$0x0];
	s2 =	stileid.u32  }
0x131: {  	s1 =	rddreg [dreg:$0x1];
	p0 =	sne.s32 s2, $0x0  }
0x132: {  	s3 =	rddreg [dreg:$0x2];
	[bflag:$0x3] =	sbarrier.arrive $0xFFFF;
	s2 =	simm.s32 @!p0 $0x1C06  }
0x133: {  	[timem:s3], [sflag:s2] =	dma.local @!p0 [hbm:s0], s1  }
0x134: {  	s0 =	simm.s32 @!p0 $0x6  }
0x135: {  	_ =	swait.ge @!p0 [sflag:s0], s1  }
0x136: {  	s1 =	ssub.s32 @!p0 $0x0, s1;
	[sflag:s0] =	ssyncset.done @!p0 $0x0  }
0x137: {  	[sflag:s0] =	ssyncadd.s32 @!p0 s1  }
0x138: {  	[bflag:$0x3] =	sbarrier.arrive $0xFFFF  }
0x139: {  	_ =	shalt  }

</sc_bundles>
